<compile_context>
chip_gen: v7x
topology: tpu7x:2x2x1
jax: 0.10.2.dev20260603
libtpu: 0.0.44.dev20260713+nightly
codegen_flags: <defaults>
</compile_context>

<pallas_src>
import functools

import jax
import jax.numpy as jnp
from jax import lax
from jax.experimental import pallas as pl
from jax.experimental.pallas import tpu as pltpu
from jax.experimental.pallas import tpu_sc as plsc

T, D, H, E = 2048, 768, 2048, 8

BT = 256
NBLK = T // BT + E - 1
NPAD = NBLK * BT

TB = 256
NTB = T // TB

NC, NS = 2, 16
NW = NC * NS
SPW = NPAD // NW
TPW = T // NW

_f32 = jnp.float32
_i32 = jnp.int32


def _route_body(x_ref, gam_ref, bet_ref, wg_ref, bg_ref,
                h_ref, slot_ref, be_ref, bv_ref, aux_ref):
    x = x_ref[...]
    mu = jnp.mean(x, axis=1, keepdims=True)
    xc = x - mu
    var = jnp.mean(xc * xc, axis=1, keepdims=True)
    h = xc * lax.rsqrt(var + 1e-5) * gam_ref[...] + bet_ref[...]
    hbits = lax.bitcast_convert_type(h, _i32)

    def _rne16(bits):
        odd = lax.shift_right_logical(bits, 16) & 1
        return lax.shift_right_logical(bits + 0x7FFF + odd, 16)

    lo = _rne16(hbits[:, :D // 2])
    hi = _rne16(hbits[:, D // 2:])
    h_ref[...] = lax.shift_left(hi, 16) | lo

    logits = lax.dot_general(h, wg_ref[...], (((1,), (0,)), ((), ())),
                             preferred_element_type=_f32) + bg_ref[...]
    m = jnp.max(logits, axis=1, keepdims=True)
    p = jnp.exp(logits - m)
    probs = p / jnp.sum(p, axis=1, keepdims=True)

    e_iota = lax.broadcasted_iota(_i32, (T, E), 1)
    maxp = jnp.max(probs, axis=1, keepdims=True)
    idx = jnp.min(jnp.where(probs == maxp, e_iota, E), axis=1, keepdims=True)
    oh = (e_iota == idx).astype(_f32)

    counts = jnp.sum(oh, axis=0, keepdims=True)
    imp = jnp.sum(probs, axis=0, keepdims=True) * (1.0 / T)
    aux_ref[...] = E * jnp.sum(imp * counts * (1.0 / T), axis=(0, 1),
                               keepdims=True)

    ci = counts.astype(_i32)
    padded = ((ci + (BT - 1)) // BT) * BT
    er = lax.broadcasted_iota(_i32, (E, E), 0)
    ec = lax.broadcasted_iota(_i32, (E, E), 1)
    strict_lt = (er < ec).astype(_f32)
    base_f = lax.dot_general(padded.astype(_f32), strict_lt,
                             (((1,), (0,)), ((), ())),
                             preferred_element_type=_f32)

    tr = lax.broadcasted_iota(_i32, (TB, TB), 0)
    tc = lax.broadcasted_iota(_i32, (TB, TB), 1)
    tril = (tr >= tc).astype(_f32)

    running = jnp.zeros((1, E), _f32)
    for kb in range(NTB):
        ohb = oh[kb * TB:(kb + 1) * TB]
        incl = lax.dot_general(tril, ohb, (((1,), (0,)), ((), ())),
                               preferred_element_type=_f32)
        excl = incl - ohb + running
        slot_b = jnp.sum(ohb * (base_f + excl), axis=1, keepdims=True)
        slot_ref[kb * TB:(kb + 1) * TB, :] = slot_b.astype(_i32)
        running = running + jnp.sum(ohb, axis=0, keepdims=True)

    base_i = base_f.astype(_i32)
    starts = base_i // BT
    ends = (base_i + padded) // BT
    b8 = lax.broadcasted_iota(_i32, (NBLK, E), 0)
    e8 = lax.broadcasted_iota(_i32, (NBLK, E), 1)
    inb = (b8 >= starts) & (b8 < ends)
    be = jnp.sum(jnp.where(inb, e8, 0), axis=1, keepdims=True)
    used = jnp.sum(padded) // BT
    maxe = jnp.max(jnp.where(ci > 0, lax.broadcasted_iota(_i32, (1, E), 1), 0))
    bcol = lax.broadcasted_iota(_i32, (NBLK, 1), 0)
    valid = bcol < used
    be_ref[...] = jnp.where(valid, be, maxe)
    bv_ref[...] = valid.astype(_i32)


_route = pl.pallas_call(
    _route_body,
    out_shape=[
        jax.ShapeDtypeStruct((T, D // 2), _i32),
        jax.ShapeDtypeStruct((T, 1), _i32),
        jax.ShapeDtypeStruct((NBLK, 1), _i32),
        jax.ShapeDtypeStruct((NBLK, 1), _i32),
        jax.ShapeDtypeStruct((1, 1), _f32),
    ],
)


def _scatter_body(h_hbm, slot_hbm, hs_hbm, idx_v, rows_v, sem):
    wid = lax.axis_index("s") * NC + lax.axis_index("c")
    base = wid * TPW
    pltpu.sync_copy(slot_hbm.at[pl.ds(base, TPW)], idx_v)
    pltpu.sync_copy(h_hbm.at[pl.ds(base, TPW)], rows_v)
    pltpu.async_copy(rows_v, hs_hbm.at[idx_v], sem).wait()


@functools.cache
def _make_scatter():
    return pl.kernel(
        _scatter_body,
        out_type=jax.ShapeDtypeStruct((NPAD, D // 2), _i32),
        mesh=plsc.VectorSubcoreMesh(core_axis_name="c", subcore_axis_name="s"),
        scratch_types=[
            pltpu.VMEM((TPW,), _i32),
            pltpu.VMEM((TPW, D // 2), _i32),
            pltpu.SemaphoreType.DMA,
        ],
    )


def _ffn_body(be_s, bv_s, hs_ref, w1_ref, b1_ref, w2_ref, b2_ref, ys_ref):
    b = pl.program_id(0)

    @pl.when(bv_s[b] == 1)
    def _():
        pk = hs_ref[...]
        f_lo = lax.bitcast_convert_type(lax.shift_left(pk, 16), _f32)
        f_hi = lax.bitcast_convert_type(pk & jnp.int32(-65536), _f32)
        hs = jnp.concatenate([f_lo, f_hi], axis=1)
        a = lax.dot_general(hs, w1_ref[0], (((1,), (0,)), ((), ())),
                            preferred_element_type=_f32) + b1_ref[0]
        a = 0.5 * a * (1.0 + lax.erf(a * 0.7071067811865476))
        y = lax.dot_general(a, w2_ref[0], (((1,), (0,)), ((), ())),
                            preferred_element_type=_f32) + b2_ref[0]
        ys_ref[...] = y


_ffn = pl.pallas_call(
    _ffn_body,
    grid_spec=pltpu.PrefetchScalarGridSpec(
        num_scalar_prefetch=2,
        grid=(NBLK,),
        in_specs=[
            pl.BlockSpec((BT, D // 2), lambda b, be, bv: (b, 0)),
            pl.BlockSpec((1, D, H), lambda b, be, bv: (be[b], 0, 0)),
            pl.BlockSpec((1, 1, H), lambda b, be, bv: (be[b], 0, 0)),
            pl.BlockSpec((1, H, D), lambda b, be, bv: (be[b], 0, 0)),
            pl.BlockSpec((1, 1, D), lambda b, be, bv: (be[b], 0, 0)),
        ],
        out_specs=pl.BlockSpec((BT, D), lambda b, be, bv: (b, 0)),
    ),
    out_shape=jax.ShapeDtypeStruct((NPAD, D), _f32),
)


def _combine_body(ys_hbm, slot_hbm, x_hbm, out_hbm, idx_v, rows_v, x_v, sem):
    wid = lax.axis_index("s") * NC + lax.axis_index("c")
    base = wid * TPW
    pltpu.sync_copy(slot_hbm.at[pl.ds(base, TPW)], idx_v)
    pltpu.async_copy(ys_hbm.at[idx_v], rows_v, sem).wait()
    pltpu.sync_copy(x_hbm.at[pl.ds(base, TPW)], x_v)

    def row(i, carry):
        for j in range(D // 16):
            sl = pl.ds(j * 16, 16)
            x_v[i, sl] = x_v[i, sl] + rows_v[i, sl]
        return carry

    lax.fori_loop(0, TPW, row, 0)
    pltpu.sync_copy(x_v, out_hbm.at[pl.ds(base, TPW)])


@functools.cache
def _make_combine():
    return pl.kernel(
        _combine_body,
        out_type=jax.ShapeDtypeStruct((T, D), _f32),
        mesh=plsc.VectorSubcoreMesh(core_axis_name="c", subcore_axis_name="s"),
        scratch_types=[
            pltpu.VMEM((TPW,), _i32),
            pltpu.VMEM((TPW, D), _f32),
            pltpu.VMEM((TPW, D), _f32),
            pltpu.SemaphoreType.DMA,
        ],
    )


def kernel(x, gamma, beta, Wg, bg, W1, b1, W2, b2):
    h, slot2, be2, bv2, aux = _route(
        x, gamma.reshape(1, D), beta.reshape(1, D), Wg, bg.reshape(1, E))
    hs = _make_scatter()(h, slot2.reshape(T))
    ys = _ffn(be2.reshape(NBLK), bv2.reshape(NBLK), hs,
              W1, b1.reshape(E, 1, H), W2, b2.reshape(E, 1, D))
    out = _make_combine()(ys, slot2.reshape(T), x)
    return out, aux[0, 0]

# --- scband reference (transcript-rebuilt; emitter-appended) ---
"""Pipeline reference for scband-mo-eblock-6571299963109 (READ-ONLY COPY).

The authoritative reference and input builder live on the scoring server;
editing this copy changes nothing except your own understanding.
"""

import jax, jax.numpy as jnp
import numpy as np

T, D, H, E, TOP_K = 2048, 768, 2048, 8, 1


def setup_inputs(seed: int = 0) -> dict:
    key = jax.random.key(seed)
    ks = jax.random.split(key, 8)
    x = jax.random.normal(ks[0], (T, D), dtype=jnp.float32)
    gamma = jnp.ones((D,), jnp.float32)
    beta = jnp.zeros((D,), jnp.float32)
    Wg = jax.random.normal(ks[1], (D, E), jnp.float32) * (1.0 / np.sqrt(D))
    bg = jnp.zeros((E,), jnp.float32)
    W1 = jax.random.normal(ks[2], (E, D, H), jnp.float32) * (1.0 / np.sqrt(D))
    b1 = jnp.zeros((E, H), jnp.float32)
    W2 = jax.random.normal(ks[3], (E, H, D), jnp.float32) * (1.0 / np.sqrt(H))
    b2 = jnp.zeros((E, D), jnp.float32)
    return {"x": x, "gamma": gamma, "beta": beta, "Wg": Wg, "bg": bg,
            "W1": W1, "b1": b1, "W2": W2, "b2": b2}


def reference(x, gamma, beta, Wg, bg, W1, b1, W2, b2):
    residual = x
    # LayerNorm
    mu = jnp.mean(x, axis=-1, keepdims=True)
    var = jnp.var(x, axis=-1, keepdims=True)
    h = (x - mu) / jnp.sqrt(var + 1e-5) * gamma + beta
    # Router
    logits = h @ Wg + bg                      # (T, E)
    probs = jax.nn.softmax(logits, axis=-1)   # (T, E)
    topv, topi = jax.lax.top_k(probs, TOP_K)  # (T, K)
    topv = topv / jnp.sum(topv, axis=-1, keepdims=True)
    oh = jax.nn.one_hot(topi, E, dtype=h.dtype)         # (T, K, E)
    gates = jnp.sum(oh * topv[..., None], axis=1)        # (T, E) sparse combine weights
    # Expert FFNs (computed densely, combined with sparse gates)
    h1 = jnp.einsum('td,edh->eth', h, W1) + b1[:, None, :]
    a = jax.nn.gelu(h1, approximate=False)
    y = jnp.einsum('eth,ehd->etd', a, W2) + b2[:, None, :]
    moe_out = jnp.einsum('etd,te->td', y, gates)
    # Load-balancing auxiliary loss
    importance = jnp.mean(probs, axis=0)                 # (E,)
    load = jnp.mean(jnp.sum(oh, axis=1), axis=0)          # (E,)
    aux_loss = E * jnp.sum(importance * load)
    return (residual + moe_out, aux_loss)

if __name__ == "__main__":
    import jax
    _d = setup_inputs()
    print(jax.jit(kernel)(*tuple(_d.values())))

</pallas_src>

<mosaic_0001>
#map = affine_map<(d0, d1) -> (0, 0)>
#map1 = affine_map<(d0, d1) -> (0)>
module attributes {stable_mosaic.version = 14 : i64} {
  func.func @_scatter_body(%arg0: i32, %arg1: i32, %arg2: memref<2048x384xi32, #tpu.memory_space<hbm>>, %arg3: memref<2048xi32, #tpu.memory_space<hbm>>, %arg4: memref<3840x384xi32, #tpu.memory_space<hbm>>, %arg5: memref<64xi32, #tpu.memory_space<vmem>>, %arg6: memref<64x384xi32, #tpu.memory_space<vmem>>, %arg7: memref<!tpu.dma_semaphore, #tpu.memory_space<semaphore_mem>>) attributes {dimension_semantics = [#tpu.dimension_semantics<core_parallel>, #tpu.dimension_semantics<subcore_parallel>], iteration_bounds = array<i64: 2, 16>, scalar_prefetch = 0 : i64, scratch_operands = 3 : i64, tpu.core_type = #tpu.core_type<sc_vector_subcore>, window_params = [{transform_indices = #map}, {transform_indices = #map1}, {transform_indices = #map}]} {
    %mul3A = arith.constant 2 : i32
    %mul3A_0 = arith.muli %arg1, %mul3A : i32
    %add3A = arith.addi %mul3A_0, %arg0 : i32
    %mul3A_1 = arith.constant 64 : i32
    %mul3A_2 = arith.muli %add3A, %mul3A_1 : i32
    "tpu.region"() ({
      %run_scoped3A = tpu.sem_alloc : memref<!tpu.dma_semaphore, #tpu.memory_space<semaphore_mem>>
      %dma_start3A_7 = tpu.memref_slice %arg3[%mul3A_2] : memref<2048xi32, #tpu.memory_space<hbm>> -> memref<64xi32, #tpu.memory_space<hbm>>
      %dma_start3A_8 = tpu.memref_slice %arg3[%mul3A_2] : memref<2048xi32, #tpu.memory_space<hbm>> -> memref<64xi32, #tpu.memory_space<hbm>>
      tpu.enqueue_dma source(%dma_start3A_8 : memref<64xi32, #tpu.memory_space<hbm>>) target(%arg5 : memref<64xi32, #tpu.memory_space<vmem>>) target_semaphore(%run_scoped3A : memref<!tpu.dma_semaphore, #tpu.memory_space<semaphore_mem>>)
      %dma_wait3A_9 = tpu.memref_slice %arg3[%mul3A_2] : memref<2048xi32, #tpu.memory_space<hbm>> -> memref<64xi32, #tpu.memory_space<hbm>>
      %dma_wait3A_10 = tpu.memref_slice %arg3[%mul3A_2] : memref<2048xi32, #tpu.memory_space<hbm>> -> memref<64xi32, #tpu.memory_space<hbm>>
      tpu.wait_dma2 semaphore(%run_scoped3A : memref<!tpu.dma_semaphore, #tpu.memory_space<semaphore_mem>>) src(%dma_wait3A_10 : memref<64xi32, #tpu.memory_space<hbm>>) dst(%arg5 : memref<64xi32, #tpu.memory_space<vmem>>)
      tpu.yield
    }) : () -> ()
    "tpu.region"() ({
      %run_scoped3A = tpu.sem_alloc : memref<!tpu.dma_semaphore, #tpu.memory_space<semaphore_mem>>
      %dma_start3A_7 = arith.constant 0 : i32
      %dma_start3A_8 = tpu.memref_slice %arg2[%mul3A_2, %dma_start3A_7] : memref<2048x384xi32, #tpu.memory_space<hbm>> -> memref<64x384xi32, #tpu.memory_space<hbm>>
      %dma_start3A_9 = arith.constant 0 : i32
      %dma_start3A_10 = tpu.memref_slice %arg2[%mul3A_2, %dma_start3A_9] : memref<2048x384xi32, #tpu.memory_space<hbm>> -> memref<64x384xi32, #tpu.memory_space<hbm>>
      tpu.enqueue_dma source(%dma_start3A_10 : memref<64x384xi32, #tpu.memory_space<hbm>>) target(%arg6 : memref<64x384xi32, #tpu.memory_space<vmem>>) target_semaphore(%run_scoped3A : memref<!tpu.dma_semaphore, #tpu.memory_space<semaphore_mem>>)
      %dma_wait3A_11 = arith.constant 0 : i32
      %dma_wait3A_12 = tpu.memref_slice %arg2[%mul3A_2, %dma_wait3A_11] : memref<2048x384xi32, #tpu.memory_space<hbm>> -> memref<64x384xi32, #tpu.memory_space<hbm>>
      %dma_wait3A_13 = arith.constant 0 : i32
      %dma_wait3A_14 = tpu.memref_slice %arg2[%mul3A_2, %dma_wait3A_13] : memref<2048x384xi32, #tpu.memory_space<hbm>> -> memref<64x384xi32, #tpu.memory_space<hbm>>
      tpu.wait_dma2 semaphore(%run_scoped3A : memref<!tpu.dma_semaphore, #tpu.memory_space<semaphore_mem>>) src(%dma_wait3A_14 : memref<64x384xi32, #tpu.memory_space<hbm>>) dst(%arg6 : memref<64x384xi32, #tpu.memory_space<vmem>>)
      tpu.yield
    }) : () -> ()
    %dma_start3A = arith.constant 0 : i32
    %dma_start3A_3 = arith.constant 0 : i32
    %dma_start3A_4 = tpu.memref_slice %arg4[%dma_start3A, %dma_start3A_3] : memref<3840x384xi32, #tpu.memory_space<hbm>> -> memref<3840x384xi32, #tpu.memory_space<hbm>>
    tpu.enqueue_indirect_dma source(%arg6 : memref<64x384xi32, #tpu.memory_space<vmem>>) target(%dma_start3A_4 : memref<3840x384xi32, #tpu.memory_space<hbm>>) offsets(%arg5 : memref<64xi32, #tpu.memory_space<vmem>>) semaphore(%arg7 : memref<!tpu.dma_semaphore, #tpu.memory_space<semaphore_mem>>)
    %dma_wait3A = arith.constant 0 : i32
    %dma_wait3A_5 = arith.constant 0 : i32
    %dma_wait3A_6 = tpu.memref_slice %arg4[%dma_wait3A, %dma_wait3A_5] : memref<3840x384xi32, #tpu.memory_space<hbm>> -> memref<3840x384xi32, #tpu.memory_space<hbm>>
    tpu.wait_indirect_dma semaphore(%arg7 : memref<!tpu.dma_semaphore, #tpu.memory_space<semaphore_mem>>) src(%arg6 : memref<64x384xi32, #tpu.memory_space<vmem>>) dst(%dma_wait3A_6 : memref<3840x384xi32, #tpu.memory_space<hbm>>)
    return
  }
}

#map = affine_map<(d0, d1) -> (0, 0)>
#map1 = affine_map<(d0, d1) -> (0)>
module attributes {stable_mosaic.version = 14 : i64} {
  func.func @_combine_body(%arg0: i32, %arg1: i32, %arg2: memref<3840x768xf32, #tpu.memory_space<hbm>>, %arg3: memref<2048xi32, #tpu.memory_space<hbm>>, %arg4: memref<2048x768xf32, #tpu.memory_space<hbm>>, %arg5: memref<2048x768xf32, #tpu.memory_space<hbm>>, %arg6: memref<64xi32, #tpu.memory_space<vmem>>, %arg7: memref<64x768xf32, #tpu.memory_space<vmem>>, %arg8: memref<64x768xf32, #tpu.memory_space<vmem>>, %arg9: memref<!tpu.dma_semaphore, #tpu.memory_space<semaphore_mem>>) attributes {dimension_semantics = [#tpu.dimension_semantics<core_parallel>, #tpu.dimension_semantics<subcore_parallel>], iteration_bounds = array<i64: 2, 16>, scalar_prefetch = 0 : i64, scratch_operands = 4 : i64, tpu.core_type = #tpu.core_type<sc_vector_subcore>, window_params = [{transform_indices = #map}, {transform_indices = #map1}, {transform_indices = #map}, {transform_indices = #map}]} {
    %mul3A = arith.constant 2 : i32
    %mul3A_0 = arith.muli %arg1, %mul3A : i32
    %add3A = arith.addi %mul3A_0, %arg0 : i32
    %mul3A_1 = arith.constant 64 : i32
    %mul3A_2 = arith.muli %add3A, %mul3A_1 : i32
    "tpu.region"() ({
      %run_scoped3A = tpu.sem_alloc : memref<!tpu.dma_semaphore, #tpu.memory_space<semaphore_mem>>
      %dma_start3A_12 = tpu.memref_slice %arg3[%mul3A_2] : memref<2048xi32, #tpu.memory_space<hbm>> -> memref<64xi32, #tpu.memory_space<hbm>>
      %dma_start3A_13 = tpu.memref_slice %arg3[%mul3A_2] : memref<2048xi32, #tpu.memory_space<hbm>> -> memref<64xi32, #tpu.memory_space<hbm>>
      tpu.enqueue_dma source(%dma_start3A_13 : memref<64xi32, #tpu.memory_space<hbm>>) target(%arg6 : memref<64xi32, #tpu.memory_space<vmem>>) target_semaphore(%run_scoped3A : memref<!tpu.dma_semaphore, #tpu.memory_space<semaphore_mem>>)
      %dma_wait3A_14 = tpu.memref_slice %arg3[%mul3A_2] : memref<2048xi32, #tpu.memory_space<hbm>> -> memref<64xi32, #tpu.memory_space<hbm>>
      %dma_wait3A_15 = tpu.memref_slice %arg3[%mul3A_2] : memref<2048xi32, #tpu.memory_space<hbm>> -> memref<64xi32, #tpu.memory_space<hbm>>
      tpu.wait_dma2 semaphore(%run_scoped3A : memref<!tpu.dma_semaphore, #tpu.memory_space<semaphore_mem>>) src(%dma_wait3A_15 : memref<64xi32, #tpu.memory_space<hbm>>) dst(%arg6 : memref<64xi32, #tpu.memory_space<vmem>>)
      tpu.yield
    }) : () -> ()
    %dma_start3A = arith.constant 0 : i32
    %dma_start3A_3 = arith.constant 0 : i32
    %dma_start3A_4 = tpu.memref_slice %arg2[%dma_start3A, %dma_start3A_3] : memref<3840x768xf32, #tpu.memory_space<hbm>> -> memref<3840x768xf32, #tpu.memory_space<hbm>>
    tpu.enqueue_indirect_dma source(%dma_start3A_4 : memref<3840x768xf32, #tpu.memory_space<hbm>>) target(%arg7 : memref<64x768xf32, #tpu.memory_space<vmem>>) offsets(%arg6 : memref<64xi32, #tpu.memory_space<vmem>>) semaphore(%arg9 : memref<!tpu.dma_semaphore, #tpu.memory_space<semaphore_mem>>)
    %dma_wait3A = arith.constant 0 : i32
    %dma_wait3A_5 = arith.constant 0 : i32
    %dma_wait3A_6 = tpu.memref_slice %arg2[%dma_wait3A, %dma_wait3A_5] : memref<3840x768xf32, #tpu.memory_space<hbm>> -> memref<3840x768xf32, #tpu.memory_space<hbm>>
    tpu.wait_indirect_dma semaphore(%arg9 : memref<!tpu.dma_semaphore, #tpu.memory_space<semaphore_mem>>) src(%dma_wait3A_6 : memref<3840x768xf32, #tpu.memory_space<hbm>>) dst(%arg7 : memref<64x768xf32, #tpu.memory_space<vmem>>)
    "tpu.region"() ({
      %run_scoped3A = tpu.sem_alloc : memref<!tpu.dma_semaphore, #tpu.memory_space<semaphore_mem>>
      %dma_start3A_12 = arith.constant 0 : i32
      %dma_start3A_13 = tpu.memref_slice %arg4[%mul3A_2, %dma_start3A_12] : memref<2048x768xf32, #tpu.memory_space<hbm>> -> memref<64x768xf32, #tpu.memory_space<hbm>>
      %dma_start3A_14 = arith.constant 0 : i32
      %dma_start3A_15 = tpu.memref_slice %arg4[%mul3A_2, %dma_start3A_14] : memref<2048x768xf32, #tpu.memory_space<hbm>> -> memref<64x768xf32, #tpu.memory_space<hbm>>
      tpu.enqueue_dma source(%dma_start3A_15 : memref<64x768xf32, #tpu.memory_space<hbm>>) target(%arg8 : memref<64x768xf32, #tpu.memory_space<vmem>>) target_semaphore(%run_scoped3A : memref<!tpu.dma_semaphore, #tpu.memory_space<semaphore_mem>>)
      %dma_wait3A_16 = arith.constant 0 : i32
      %dma_wait3A_17 = tpu.memref_slice %arg4[%mul3A_2, %dma_wait3A_16] : memref<2048x768xf32, #tpu.memory_space<hbm>> -> memref<64x768xf32, #tpu.memory_space<hbm>>
      %dma_wait3A_18 = arith.constant 0 : i32
      %dma_wait3A_19 = tpu.memref_slice %arg4[%mul3A_2, %dma_wait3A_18] : memref<2048x768xf32, #tpu.memory_space<hbm>> -> memref<64x768xf32, #tpu.memory_space<hbm>>
      tpu.wait_dma2 semaphore(%run_scoped3A : memref<!tpu.dma_semaphore, #tpu.memory_space<semaphore_mem>>) src(%dma_wait3A_19 : memref<64x768xf32, #tpu.memory_space<hbm>>) dst(%arg8 : memref<64x768xf32, #tpu.memory_space<vmem>>)
      tpu.yield
    }) : () -> ()
    %scan3A = arith.constant 0 : i32
    %scan3A_7 = arith.constant 0 : i32
    %scan3A_8 = arith.constant 64 : i32
    %scan3A_9 = arith.addi %scan3A_7, %scan3A_8 : i32
    %scan3A_10 = arith.constant 1 : i32
    scf.for %scan3A_12 = %scan3A_7 to %scan3A_9 step %scan3A_10  : i32 {
      %get3A = arith.index_cast %scan3A_12 : i32 to index
      %get3A_13 = arith.constant 0 : index
      %get3A_14 = tpu.vector_load %arg8[%get3A, %get3A_13] {strides = array<i32>} : memref<64x768xf32, #tpu.memory_space<vmem>>, vector<1x16xf32>,
      %get3A_15 = vector.shape_cast %get3A_14 : vector<1x16xf32> to vector<16xf32>
      %get3A_16 = arith.index_cast %scan3A_12 : i32 to index
      %get3A_17 = arith.constant 0 : index
      %get3A_18 = tpu.vector_load %arg7[%get3A_16, %get3A_17] {strides = array<i32>} : memref<64x768xf32, #tpu.memory_space<vmem>>, vector<1x16xf32>,
      %get3A_19 = vector.shape_cast %get3A_18 : vector<1x16xf32> to vector<16xf32>
      %add3A_20 = arith.addf %get3A_15, %get3A_19 : vector<16xf32>
      %swap3A = arith.index_cast %scan3A_12 : i32 to index
      %swap3A_21 = arith.constant 0 : index
      %swap3A_22 = tpu.vector_load %arg8[%swap3A, %swap3A_21] {strides = array<i32>} : memref<64x768xf32, #tpu.memory_space<vmem>>, vector<1x16xf32>,
      %swap3A_23 = vector.shape_cast %swap3A_22 : vector<1x16xf32> to vector<16xf32>
      %swap3A_24 = vector.shape_cast %add3A_20 : vector<16xf32> to vector<1x16xf32>
      tpu.vector_store %arg8[%swap3A, %swap3A_21], %swap3A_24 {strides = array<i32>} : memref<64x768xf32, #tpu.memory_space<vmem>>, vector<1x16xf32>,
      %get3A_25 = arith.index_cast %scan3A_12 : i32 to index
      %get3A_26 = arith.constant 16 : index
      %get3A_27 = tpu.vector_load %arg8[%get3A_25, %get3A_26] {strides = array<i32>} : memref<64x768xf32, #tpu.memory_space<vmem>>, vector<1x16xf32>,
      %get3A_28 = vector.shape_cast %get3A_27 : vector<1x16xf32> to vector<16xf32>
      %get3A_29 = arith.index_cast %scan3A_12 : i32 to index
      %get3A_30 = arith.constant 16 : index
      %get3A_31 = tpu.vector_load %arg7[%get3A_29, %get3A_30] {strides = array<i32>} : memref<64x768xf32, #tpu.memory_space<vmem>>, vector<1x16xf32>,
      %get3A_32 = vector.shape_cast %get3A_31 : vector<1x16xf32> to vector<16xf32>
      %add3A_33 = arith.addf %get3A_28, %get3A_32 : vector<16xf32>
      %swap3A_34 = arith.index_cast %scan3A_12 : i32 to index
      %swap3A_35 = arith.constant 16 : index
      %swap3A_36 = tpu.vector_load %arg8[%swap3A_34, %swap3A_35] {strides = array<i32>} : memref<64x768xf32, #tpu.memory_space<vmem>>, vector<1x16xf32>,
      %swap3A_37 = vector.shape_cast %swap3A_36 : vector<1x16xf32> to vector<16xf32>
      %swap3A_38 = vector.shape_cast %add3A_33 : vector<16xf32> to vector<1x16xf32>
      tpu.vector_store %arg8[%swap3A_34, %swap3A_35], %swap3A_38 {strides = array<i32>} : memref<64x768xf32, #tpu.memory_space<vmem>>, vector<1x16xf32>,
      %get3A_39 = arith.index_cast %scan3A_12 : i32 to index
      %get3A_40 = arith.constant 32 : index
      %get3A_41 = tpu.vector_load %arg8[%get3A_39, %get3A_40] {strides = array<i32>} : memref<64x768xf32, #tpu.memory_space<vmem>>, vector<1x16xf32>,
      %get3A_42 = vector.shape_cast %get3A_41 : vector<1x16xf32> to vector<16xf32>
      %get3A_43 = arith.index_cast %scan3A_12 : i32 to index
      %get3A_44 = arith.constant 32 : index
      %get3A_45 = tpu.vector_load %arg7[%get3A_43, %get3A_44] {strides = array<i32>} : memref<64x768xf32, #tpu.memory_space<vmem>>, vector<1x16xf32>,
      %get3A_46 = vector.shape_cast %get3A_45 : vector<1x16xf32> to vector<16xf32>
      %add3A_47 = arith.addf %get3A_42, %get3A_46 : vector<16xf32>
      %swap3A_48 = arith.index_cast %scan3A_12 : i32 to index
      %swap3A_49 = arith.constant 32 : index
      %swap3A_50 = tpu.vector_load %arg8[%swap3A_48, %swap3A_49] {strides = array<i32>} : memref<64x768xf32, #tpu.memory_space<vmem>>, vector<1x16xf32>,
      %swap3A_51 = vector.shape_cast %swap3A_50 : vector<1x16xf32> to vector<16xf32>
      %swap3A_52 = vector.shape_cast %add3A_47 : vector<16xf32> to vector<1x16xf32>
      tpu.vector_store %arg8[%swap3A_48, %swap3A_49], %swap3A_52 {strides = array<i32>} : memref<64x768xf32, #tpu.memory_space<vmem>>, vector<1x16xf32>,
      %get3A_53 = arith.index_cast %scan3A_12 : i32 to index
      %get3A_54 = arith.constant 48 : index
      %get3A_55 = tpu.vector_load %arg8[%get3A_53, %get3A_54] {strides = array<i32>} : memref<64x768xf32, #tpu.memory_space<vmem>>, vector<1x16xf32>,
      %get3A_56 = vector.shape_cast %get3A_55 : vector<1x16xf32> to vector<16xf32>
      %get3A_57 = arith.index_cast %scan3A_12 : i32 to index
      %get3A_58 = arith.constant 48 : index
      %get3A_59 = tpu.vector_load %arg7[%get3A_57, %get3A_58] {strides = array<i32>} : memref<64x768xf32, #tpu.memory_space<vmem>>, vector<1x16xf32>,
      %get3A_60 = vector.shape_cast %get3A_59 : vector<1x16xf32> to vector<16xf32>
      %add3A_61 = arith.addf %get3A_56, %get3A_60 : vector<16xf32>
      %swap3A_62 = arith.index_cast %scan3A_12 : i32 to index
      %swap3A_63 = arith.constant 48 : index
      %swap3A_64 = tpu.vector_load %arg8[%swap3A_62, %swap3A_63] {strides = array<i32>} : memref<64x768xf32, #tpu.memory_space<vmem>>, vector<1x16xf32>,
      %swap3A_65 = vector.shape_cast %swap3A_64 : vector<1x16xf32> to vector<16xf32>
      %swap3A_66 = vector.shape_cast %add3A_61 : vector<16xf32> to vector<1x16xf32>
      tpu.vector_store %arg8[%swap3A_62, %swap3A_63], %swap3A_66 {strides = array<i32>} : memref<64x768xf32, #tpu.memory_space<vmem>>, vector<1x16xf32>,
      %get3A_67 = arith.index_cast %scan3A_12 : i32 to index
      %get3A_68 = arith.constant 64 : index
      %get3A_69 = tpu.vector_load %arg8[%get3A_67, %get3A_68] {strides = array<i32>} : memref<64x768xf32, #tpu.memory_space<vmem>>, vector<1x16xf32>,
      %get3A_70 = vector.shape_cast %get3A_69 : vector<1x16xf32> to vector<16xf32>
      %get3A_71 = arith.index_cast %scan3A_12 : i32 to index
      %get3A_72 = arith.constant 64 : index
      %get3A_73 = tpu.vector_load %arg7[%get3A_71, %get3A_72] {strides = array<i32>} : memref<64x768xf32, #tpu.memory_space<vmem>>, vector<1x16xf32>,
      %get3A_74 = vector.shape_cast %get3A_73 : vector<1x16xf32> to vector<16xf32>
      %add3A_75 = arith.addf %get3A_70, %get3A_74 : vector<16xf32>
      %swap3A_76 = arith.index_cast %scan3A_12 : i32 to index
      %swap3A_77 = arith.constant 64 : index
      %swap3A_78 = tpu.vector_load %arg8[%swap3A_76, %swap3A_77] {strides = array<i32>} : memref<64x768xf32, #tpu.memory_space<vmem>>, vector<1x16xf32>,
      %swap3A_79 = vector.shape_cast %swap3A_78 : vector<1x16xf32> to vector<16xf32>
      %swap3A_80 = vector.shape_cast %add3A_75 : vector<16xf32> to vector<1x16xf32>
      tpu.vector_store %arg8[%swap3A_76, %swap3A_77], %swap3A_80 {strides = array<i32>} : memref<64x768xf32, #tpu.memory_space<vmem>>, vector<1x16xf32>,
      %get3A_81 = arith.index_cast %scan3A_12 : i32 to index
      %get3A_82 = arith.constant 80 : index
      %get3A_83 = tpu.vector_load %arg8[%get3A_81, %get3A_82] {strides = array<i32>} : memref<64x768xf32, #tpu.memory_space<vmem>>, vector<1x16xf32>,
      %get3A_84 = vector.shape_cast %get3A_83 : vector<1x16xf32> to vector<16xf32>
      %get3A_85 = arith.index_cast %scan3A_12 : i32 to index
      %get3A_86 = arith.constant 80 : index
      %get3A_87 = tpu.vector_load %arg7[%get3A_85, %get3A_86] {strides = array<i32>} : memref<64x768xf32, #tpu.memory_space<vmem>>, vector<1x16xf32>,
      %get3A_88 = vector.shape_cast %get3A_87 : vector<1x16xf32> to vector<16xf32>
      %add3A_89 = arith.addf %get3A_84, %get3A_88 : vector<16xf32>
      %swap3A_90 = arith.index_cast %scan3A_12 : i32 to index
      %swap3A_91 = arith.constant 80 : index
      %swap3A_92 = tpu.vector_load %arg8[%swap3A_90, %swap3A_91] {strides = array<i32>} : memref<64x768xf32, #tpu.memory_space<vmem>>, vector<1x16xf32>,
      %swap3A_93 = vector.shape_cast %swap3A_92 : vector<1x16xf32> to vector<16xf32>
      %swap3A_94 = vector.shape_cast %add3A_89 : vector<16xf32> to vector<1x16xf32>
      tpu.vector_store %arg8[%swap3A_90, %swap3A_91], %swap3A_94 {strides = array<i32>} : memref<64x768xf32, #tpu.memory_space<vmem>>, vector<1x16xf32>,
      %get3A_95 = arith.index_cast %scan3A_12 : i32 to index
      %get3A_96 = arith.constant 96 : index
      %get3A_97 = tpu.vector_load %arg8[%get3A_95, %get3A_96] {strides = array<i32>} : memref<64x768xf32, #tpu.memory_space<vmem>>, vector<1x16xf32>,
      %get3A_98 = vector.shape_cast %get3A_97 : vector<1x16xf32> to vector<16xf32>
      %get3A_99 = arith.index_cast %scan3A_12 : i32 to index
      %get3A_100 = arith.constant 96 : index
      %get3A_101 = tpu.vector_load %arg7[%get3A_99, %get3A_100] {strides = array<i32>} : memref<64x768xf32, #tpu.memory_space<vmem>>, vector<1x16xf32>,
      %get3A_102 = vector.shape_cast %get3A_101 : vector<1x16xf32> to vector<16xf32>
      %add3A_103 = arith.addf %get3A_98, %get3A_102 : vector<16xf32>
      %swap3A_104 = arith.index_cast %scan3A_12 : i32 to index
      %swap3A_105 = arith.constant 96 : index
      %swap3A_106 = tpu.vector_load %arg8[%swap3A_104, %swap3A_105] {strides = array<i32>} : memref<64x768xf32, #tpu.memory_space<vmem>>, vector<1x16xf32>,
      %swap3A_107 = vector.shape_cast %swap3A_106 : vector<1x16xf32> to vector<16xf32>
      %swap3A_108 = vector.shape_cast %add3A_103 : vector<16xf32> to vector<1x16xf32>
      tpu.vector_store %arg8[%swap3A_104, %swap3A_105], %swap3A_108 {strides = array<i32>} : memref<64x768xf32, #tpu.memory_space<vmem>>, vector<1x16xf32>,
      %get3A_109 = arith.index_cast %scan3A_12 : i32 to index
      %get3A_110 = arith.constant 112 : index
      %get3A_111 = tpu.vector_load %arg8[%get3A_109, %get3A_110] {strides = array<i32>} : memref<64x768xf32, #tpu.memory_space<vmem>>, vector<1x16xf32>,
      %get3A_112 = vector.shape_cast %get3A_111 : vector<1x16xf32> to vector<16xf32>
      %get3A_113 = arith.index_cast %scan3A_12 : i32 to index
      %get3A_114 = arith.constant 112 : index
      %get3A_115 = tpu.vector_load %arg7[%get3A_113, %get3A_114] {strides = array<i32>} : memref<64x768xf32, #tpu.memory_space<vmem>>, vector<1x16xf32>,
      %get3A_116 = vector.shape_cast %get3A_115 : vector<1x16xf32> to vector<16xf32>
      %add3A_117 = arith.addf %get3A_112, %get3A_116 : vector<16xf32>
      %swap3A_118 = arith.index_cast %scan3A_12 : i32 to index
      %swap3A_119 = arith.constant 112 : index
      %swap3A_120 = tpu.vector_load %arg8[%swap3A_118, %swap3A_119] {strides = array<i32>} : memref<64x768xf32, #tpu.memory_space<vmem>>, vector<1x16xf32>,
      %swap3A_121 = vector.shape_cast %swap3A_120 : vector<1x16xf32> to vector<16xf32>
      %swap3A_122 = vector.shape_cast %add3A_117 : vector<16xf32> to vector<1x16xf32>
      tpu.vector_store %arg8[%swap3A_118, %swap3A_119], %swap3A_122 {strides = array<i32>} : memref<64x768xf32, #tpu.memory_space<vmem>>, vector<1x16xf32>,
      %get3A_123 = arith.index_cast %scan3A_12 : i32 to index
      %get3A_124 = arith.constant 128 : index
      %get3A_125 = tpu.vector_load %arg8[%get3A_123, %get3A_124] {strides = array<i32>} : memref<64x768xf32, #tpu.memory_space<vmem>>, vector<1x16xf32>,
      %get3A_126 = vector.shape_cast %get3A_125 : vector<1x16xf32> to vector<16xf32>
      %get3A_127 = arith.index_cast %scan3A_12 : i32 to index
      %get3A_128 = arith.constant 128 : index
      %get3A_129 = tpu.vector_load %arg7[%get3A_127, %get3A_128] {strides = array<i32>} : memref<64x768xf32, #tpu.memory_space<vmem>>, vector<1x16xf32>,
      %get3A_130 = vector.shape_cast %get3A_129 : vector<1x16xf32> to vector<16xf32>
      %add3A_131 = arith.addf %get3A_126, %get3A_130 : vector<16xf32>
      %swap3A_132 = arith.index_cast %scan3A_12 : i32 to index
      %swap3A_133 = arith.constant 128 : index
      %swap3A_134 = tpu.vector_load %arg8[%swap3A_132, %swap3A_133] {strides = array<i32>} : memref<64x768xf32, #tpu.memory_space<vmem>>, vector<1x16xf32>,
      %swap3A_135 = vector.shape_cast %swap3A_134 : vector<1x16xf32> to vector<16xf32>
      %swap3A_136 = vector.shape_cast %add3A_131 : vector<16xf32> to vector<1x16xf32>
      tpu.vector_store %arg8[%swap3A_132, %swap3A_133], %swap3A_136 {strides = array<i32>} : memref<64x768xf32, #tpu.memory_space<vmem>>, vector<1x16xf32>,
      %get3A_137 = arith.index_cast %scan3A_12 : i32 to index
      %get3A_138 = arith.constant 144 : index
      %get3A_139 = tpu.vector_load %arg8[%get3A_137, %get3A_138] {strides = array<i32>} : memref<64x768xf32, #tpu.memory_space<vmem>>, vector<1x16xf32>,
      %get3A_140 = vector.shape_cast %get3A_139 : vector<1x16xf32> to vector<16xf32>
      %get3A_141 = arith.index_cast %scan3A_12 : i32 to index
      %get3A_142 = arith.constant 144 : index
      %get3A_143 = tpu.vector_load %arg7[%get3A_141, %get3A_142] {strides = array<i32>} : memref<64x768xf32, #tpu.memory_space<vmem>>, vector<1x16xf32>,
      %get3A_144 = vector.shape_cast %get3A_143 : vector<1x16xf32> to vector<16xf32>
      %add3A_145 = arith.addf %get3A_140, %get3A_144 : vector<16xf32>
      %swap3A_146 = arith.index_cast %scan3A_12 : i32 to index
      %swap3A_147 = arith.constant 144 : index
      %swap3A_148 = tpu.vector_load %arg8[%swap3A_146, %swap3A_147] {strides = array<i32>} : memref<64x768xf32, #tpu.memory_space<vmem>>, vector<1x16xf32>,
      %swap3A_149 = vector.shape_cast %swap3A_148 : vector<1x16xf32> to vector<16xf32>
      %swap3A_150 = vector.shape_cast %add3A_145 : vector<16xf32> to vector<1x16xf32>
      tpu.vector_store %arg8[%swap3A_146, %swap3A_147], %swap3A_150 {strides = array<i32>} : memref<64x768xf32, #tpu.memory_space<vmem>>, vector<1x16xf32>,
      %get3A_151 = arith.index_cast %scan3A_12 : i32 to index
      %get3A_152 = arith.constant 160 : index
      %get3A_153 = tpu.vector_load %arg8[%get3A_151, %get3A_152] {strides = array<i32>} : memref<64x768xf32, #tpu.memory_space<vmem>>, vector<1x16xf32>,
      %get3A_154 = vector.shape_cast %get3A_153 : vector<1x16xf32> to vector<16xf32>
      %get3A_155 = arith.index_cast %scan3A_12 : i32 to index
      %get3A_156 = arith.constant 160 : index
      %get3A_157 = tpu.vector_load %arg7[%get3A_155, %get3A_156] {strides = array<i32>} : memref<64x768xf32, #tpu.memory_space<vmem>>, vector<1x16xf32>,
      %get3A_158 = vector.shape_cast %get3A_157 : vector<1x16xf32> to vector<16xf32>
      %add3A_159 = arith.addf %get3A_154, %get3A_158 : vector<16xf32>
      %swap3A_160 = arith.index_cast %scan3A_12 : i32 to index
      %swap3A_161 = arith.constant 160 : index
      %swap3A_162 = tpu.vector_load %arg8[%swap3A_160, %swap3A_161] {strides = array<i32>} : memref<64x768xf32, #tpu.memory_space<vmem>>, vector<1x16xf32>,
      %swap3A_163 = vector.shape_cast %swap3A_162 : vector<1x16xf32> to vector<16xf32>
      %swap3A_164 = vector.shape_cast %add3A_159 : vector<16xf32> to vector<1x16xf32>
      tpu.vector_store %arg8[%swap3A_160, %swap3A_161], %swap3A_164 {strides = array<i32>} : memref<64x768xf32, #tpu.memory_space<vmem>>, vector<1x16xf32>,
      %get3A_165 = arith.index_cast %scan3A_12 : i32 to index
      %get3A_166 = arith.constant 176 : index
      %get3A_167 = tpu.vector_load %arg8[%get3A_165, %get3A_166] {strides = array<i32>} : memref<64x768xf32, #tpu.memory_space<vmem>>, vector<1x16xf32>,
      %get3A_168 = vector.shape_cast %get3A_167 : vector<1x16xf32> to vector<16xf32>
      %get3A_169 = arith.index_cast %scan3A_12 : i32 to index
      %get3A_170 = arith.constant 176 : index
      %get3A_171 = tpu.vector_load %arg7[%get3A_169, %get3A_170] {strides = array<i32>} : memref<64x768xf32, #tpu.memory_space<vmem>>, vector<1x16xf32>,
      %get3A_172 = vector.shape_cast %get3A_171 : vector<1x16xf32> to vector<16xf32>
      %add3A_173 = arith.addf %get3A_168, %get3A_172 : vector<16xf32>
      %swap3A_174 = arith.index_cast %scan3A_12 : i32 to index
      %swap3A_175 = arith.constant 176 : index
      %swap3A_176 = tpu.vector_load %arg8[%swap3A_174, %swap3A_175] {strides = array<i32>} : memref<64x768xf32, #tpu.memory_space<vmem>>, vector<1x16xf32>,
      %swap3A_177 = vector.shape_cast %swap3A_176 : vector<1x16xf32> to vector<16xf32>
      %swap3A_178 = vector.shape_cast %add3A_173 : vector<16xf32> to vector<1x16xf32>
      tpu.vector_store %arg8[%swap3A_174, %swap3A_175], %swap3A_178 {strides = array<i32>} : memref<64x768xf32, #tpu.memory_space<vmem>>, vector<1x16xf32>,
      %get3A_179 = arith.index_cast %scan3A_12 : i32 to index
      %get3A_180 = arith.constant 192 : index
      %get3A_181 = tpu.vector_load %arg8[%get3A_179, %get3A_180] {strides = array<i32>} : memref<64x768xf32, #tpu.memory_space<vmem>>, vector<1x16xf32>,
      %get3A_182 = vector.shape_cast %get3A_181 : vector<1x16xf32> to vector<16xf32>
      %get3A_183 = arith.index_cast %scan3A_12 : i32 to index
      %get3A_184 = arith.constant 192 : index
      %get3A_185 = tpu.vector_load %arg7[%get3A_183, %get3A_184] {strides = array<i32>} : memref<64x768xf32, #tpu.memory_space<vmem>>, vector<1x16xf32>,
      %get3A_186 = vector.shape_cast %get3A_185 : vector<1x16xf32> to vector<16xf32>
      %add3A_187 = arith.addf %get3A_182, %get3A_186 : vector<16xf32>
      %swap3A_188 = arith.index_cast %scan3A_12 : i32 to index
      %swap3A_189 = arith.constant 192 : index
      %swap3A_190 = tpu.vector_load %arg8[%swap3A_188, %swap3A_189] {strides = array<i32>} : memref<64x768xf32, #tpu.memory_space<vmem>>, vector<1x16xf32>,
      %swap3A_191 = vector.shape_cast %swap3A_190 : vector<1x16xf32> to vector<16xf32>
      %swap3A_192 = vector.shape_cast %add3A_187 : vector<16xf32> to vector<1x16xf32>
      tpu.vector_store %arg8[%swap3A_188, %swap3A_189], %swap3A_192 {strides = array<i32>} : memref<64x768xf32, #tpu.memory_space<vmem>>, vector<1x16xf32>,
      %get3A_193 = arith.index_cast %scan3A_12 : i32 to index
      %get3A_194 = arith.constant 208 : index
      %get3A_195 = tpu.vector_load %arg8[%get3A_193, %get3A_194] {strides = array<i32>} : memref<64x768xf32, #tpu.memory_space<vmem>>, vector<1x16xf32>,
      %get3A_196 = vector.shape_cast %get3A_195 : vector<1x16xf32> to vector<16xf32>
      %get3A_197 = arith.index_cast %scan3A_12 : i32 to index
      %get3A_198 = arith.constant 208 : index
      %get3A_199 = tpu.vector_load %arg7[%get3A_197, %get3A_198] {strides = array<i32>} : memref<64x768xf32, #tpu.memory_space<vmem>>, vector<1x16xf32>,
      %get3A_200 = vector.shape_cast %get3A_199 : vector<1x16xf32> to vector<16xf32>
      %add3A_201 = arith.addf %get3A_196, %get3A_200 : vector<16xf32>
      %swap3A_202 = arith.index_cast %scan3A_12 : i32 to index
      %swap3A_203 = arith.constant 208 : index
      %swap3A_204 = tpu.vector_load %arg8[%swap3A_202, %swap3A_203] {strides = array<i32>} : memref<64x768xf32, #tpu.memory_space<vmem>>, vector<1x16xf32>,
      %swap3A_205 = vector.shape_cast %swap3A_204 : vector<1x16xf32> to vector<16xf32>
      %swap3A_206 = vector.shape_cast %add3A_201 : vector<16xf32> to vector<1x16xf32>
      tpu.vector_store %arg8[%swap3A_202, %swap3A_203], %swap3A_206 {strides = array<i32>} : memref<64x768xf32, #tpu.memory_space<vmem>>, vector<1x16xf32>,
      %get3A_207 = arith.index_cast %scan3A_12 : i32 to index
      %get3A_208 = arith.constant 224 : index
      %get3A_209 = tpu.vector_load %arg8[%get3A_207, %get3A_208] {strides = array<i32>} : memref<64x768xf32, #tpu.memory_space<vmem>>, vector<1x16xf32>,
      %get3A_210 = vector.shape_cast %get3A_209 : vector<1x16xf32> to vector<16xf32>
      %get3A_211 = arith.index_cast %scan3A_12 : i32 to index
      %get3A_212 = arith.constant 224 : index
      %get3A_213 = tpu.vector_load %arg7[%get3A_211, %get3A_212] {strides = array<i32>} : memref<64x768xf32, #tpu.memory_space<vmem>>, vector<1x16xf32>,
      %get3A_214 = vector.shape_cast %get3A_213 : vector<1x16xf32> to vector<16xf32>
      %add3A_215 = arith.addf %get3A_210, %get3A_214 : vector<16xf32>
      %swap3A_216 = arith.index_cast %scan3A_12 : i32 to index
      %swap3A_217 = arith.constant 224 : index
      %swap3A_218 = tpu.vector_load %arg8[%swap3A_216, %swap3A_217] {strides = array<i32>} : memref<64x768xf32, #tpu.memory_space<vmem>>, vector<1x16xf32>,
      %swap3A_219 = vector.shape_cast %swap3A_218 : vector<1x16xf32> to vector<16xf32>
      %swap3A_220 = vector.shape_cast %add3A_215 : vector<16xf32> to vector<1x16xf32>
      tpu.vector_store %arg8[%swap3A_216, %swap3A_217], %swap3A_220 {strides = array<i32>} : memref<64x768xf32, #tpu.memory_space<vmem>>, vector<1x16xf32>,
      %get3A_221 = arith.index_cast %scan3A_12 : i32 to index
      %get3A_222 = arith.constant 240 : index
      %get3A_223 = tpu.vector_load %arg8[%get3A_221, %get3A_222] {strides = array<i32>} : memref<64x768xf32, #tpu.memory_space<vmem>>, vector<1x16xf32>,
      %get3A_224 = vector.shape_cast %get3A_223 : vector<1x16xf32> to vector<16xf32>
      %get3A_225 = arith.index_cast %scan3A_12 : i32 to index
      %get3A_226 = arith.constant 240 : index
      %get3A_227 = tpu.vector_load %arg7[%get3A_225, %get3A_226] {strides = array<i32>} : memref<64x768xf32, #tpu.memory_space<vmem>>, vector<1x16xf32>,
      %get3A_228 = vector.shape_cast %get3A_227 : vector<1x16xf32> to vector<16xf32>
      %add3A_229 = arith.addf %get3A_224, %get3A_228 : vector<16xf32>
      %swap3A_230 = arith.index_cast %scan3A_12 : i32 to index
      %swap3A_231 = arith.constant 240 : index
      %swap3A_232 = tpu.vector_load %arg8[%swap3A_230, %swap3A_231] {strides = array<i32>} : memref<64x768xf32, #tpu.memory_space<vmem>>, vector<1x16xf32>,
      %swap3A_233 = vector.shape_cast %swap3A_232 : vector<1x16xf32> to vector<16xf32>
      %swap3A_234 = vector.shape_cast %add3A_229 : vector<16xf32> to vector<1x16xf32>
      tpu.vector_store %arg8[%swap3A_230, %swap3A_231], %swap3A_234 {strides = array<i32>} : memref<64x768xf32, #tpu.memory_space<vmem>>, vector<1x16xf32>,
      %get3A_235 = arith.index_cast %scan3A_12 : i32 to index
      %get3A_236 = arith.constant 256 : index
      %get3A_237 = tpu.vector_load %arg8[%get3A_235, %get3A_236] {strides = array<i32>} : memref<64x768xf32, #tpu.memory_space<vmem>>, vector<1x16xf32>,
      %get3A_238 = vector.shape_cast %get3A_237 : vector<1x16xf32> to vector<16xf32>
      %get3A_239 = arith.index_cast %scan3A_12 : i32 to index
      %get3A_240 = arith.constant 256 : index
      %get3A_241 = tpu.vector_load %arg7[%get3A_239, %get3A_240] {strides = array<i32>} : memref<64x768xf32, #tpu.memory_space<vmem>>, vector<1x16xf32>,
      %get3A_242 = vector.shape_cast %get3A_241 : vector<1x16xf32> to vector<16xf32>
      %add3A_243 = arith.addf %get3A_238, %get3A_242 : vector<16xf32>
      %swap3A_244 = arith.index_cast %scan3A_12 : i32 to index
      %swap3A_245 = arith.constant 256 : index
      %swap3A_246 = tpu.vector_load %arg8[%swap3A_244, %swap3A_245] {strides = array<i32>} : memref<64x768xf32, #tpu.memory_space<vmem>>, vector<1x16xf32>,
      %swap3A_247 = vector.shape_cast %swap3A_246 : vector<1x16xf32> to vector<16xf32>
      %swap3A_248 = vector.shape_cast %add3A_243 : vector<16xf32> to vector<1x16xf32>
      tpu.vector_store %arg8[%swap3A_244, %swap3A_245], %swap3A_248 {strides = array<i32>} : memref<64x768xf32, #tpu.memory_space<vmem>>, vector<1x16xf32>,
      %get3A_249 = arith.index_cast %scan3A_12 : i32 to index
      %get3A_250 = arith.constant 272 : index
      %get3A_251 = tpu.vector_load %arg8[%get3A_249, %get3A_250] {strides = array<i32>} : memref<64x768xf32, #tpu.memory_space<vmem>>, vector<1x16xf32>,
      %get3A_252 = vector.shape_cast %get3A_251 : vector<1x16xf32> to vector<16xf32>
      %get3A_253 = arith.index_cast %scan3A_12 : i32 to index
      %get3A_254 = arith.constant 272 : index
      %get3A_255 = tpu.vector_load %arg7[%get3A_253, %get3A_254] {strides = array<i32>} : memref<64x768xf32, #tpu.memory_space<vmem>>, vector<1x16xf32>,
      %get3A_256 = vector.shape_cast %get3A_255 : vector<1x16xf32> to vector<16xf32>
      %add3A_257 = arith.addf %get3A_252, %get3A_256 : vector<16xf32>
      %swap3A_258 = arith.index_cast %scan3A_12 : i32 to index
      %swap3A_259 = arith.constant 272 : index
      %swap3A_260 = tpu.vector_load %arg8[%swap3A_258, %swap3A_259] {strides = array<i32>} : memref<64x768xf32, #tpu.memory_space<vmem>>, vector<1x16xf32>,
      %swap3A_261 = vector.shape_cast %swap3A_260 : vector<1x16xf32> to vector<16xf32>
      %swap3A_262 = vector.shape_cast %add3A_257 : vector<16xf32> to vector<1x16xf32>
      tpu.vector_store %arg8[%swap3A_258, %swap3A_259], %swap3A_262 {strides = array<i32>} : memref<64x768xf32, #tpu.memory_space<vmem>>, vector<1x16xf32>,
      %get3A_263 = arith.index_cast %scan3A_12 : i32 to index
      %get3A_264 = arith.constant 288 : index
      %get3A_265 = tpu.vector_load %arg8[%get3A_263, %get3A_264] {strides = array<i32>} : memref<64x768xf32, #tpu.memory_space<vmem>>, vector<1x16xf32>,
      %get3A_266 = vector.shape_cast %get3A_265 : vector<1x16xf32> to vector<16xf32>
      %get3A_267 = arith.index_cast %scan3A_12 : i32 to index
      %get3A_268 = arith.constant 288 : index
      %get3A_269 = tpu.vector_load %arg7[%get3A_267, %get3A_268] {strides = array<i32>} : memref<64x768xf32, #tpu.memory_space<vmem>>, vector<1x16xf32>,
      %get3A_270 = vector.shape_cast %get3A_269 : vector<1x16xf32> to vector<16xf32>
      %add3A_271 = arith.addf %get3A_266, %get3A_270 : vector<16xf32>
      %swap3A_272 = arith.index_cast %scan3A_12 : i32 to index
      %swap3A_273 = arith.constant 288 : index
      %swap3A_274 = tpu.vector_load %arg8[%swap3A_272, %swap3A_273] {strides = array<i32>} : memref<64x768xf32, #tpu.memory_space<vmem>>, vector<1x16xf32>,
      %swap3A_275 = vector.shape_cast %swap3A_274 : vector<1x16xf32> to vector<16xf32>
      %swap3A_276 = vector.shape_cast %add3A_271 : vector<16xf32> to vector<1x16xf32>
      tpu.vector_store %arg8[%swap3A_272, %swap3A_273], %swap3A_276 {strides = array<i32>} : memref<64x768xf32, #tpu.memory_space<vmem>>, vector<1x16xf32>,
      %get3A_277 = arith.index_cast %scan3A_12 : i32 to index
      %get3A_278 = arith.constant 304 : index
      %get3A_279 = tpu.vector_load %arg8[%get3A_277, %get3A_278] {strides = array<i32>} : memref<64x768xf32, #tpu.memory_space<vmem>>, vector<1x16xf32>,
      %get3A_280 = vector.shape_cast %get3A_279 : vector<1x16xf32> to vector<16xf32>
      %get3A_281 = arith.index_cast %scan3A_12 : i32 to index
      %get3A_282 = arith.constant 304 : index
      %get3A_283 = tpu.vector_load %arg7[%get3A_281, %get3A_282] {strides = array<i32>} : memref<64x768xf32, #tpu.memory_space<vmem>>, vector<1x16xf32>,
      %get3A_284 = vector.shape_cast %get3A_283 : vector<1x16xf32> to vector<16xf32>
      %add3A_285 = arith.addf %get3A_280, %get3A_284 : vector<16xf32>
      %swap3A_286 = arith.index_cast %scan3A_12 : i32 to index
      %swap3A_287 = arith.constant 304 : index
      %swap3A_288 = tpu.vector_load %arg8[%swap3A_286, %swap3A_287] {strides = array<i32>} : memref<64x768xf32, #tpu.memory_space<vmem>>, vector<1x16xf32>,
      %swap3A_289 = vector.shape_cast %swap3A_288 : vector<1x16xf32> to vector<16xf32>
      %swap3A_290 = vector.shape_cast %add3A_285 : vector<16xf32> to vector<1x16xf32>
      tpu.vector_store %arg8[%swap3A_286, %swap3A_287], %swap3A_290 {strides = array<i32>} : memref<64x768xf32, #tpu.memory_space<vmem>>, vector<1x16xf32>,
      %get3A_291 = arith.index_cast %scan3A_12 : i32 to index
      %get3A_292 = arith.constant 320 : index
      %get3A_293 = tpu.vector_load %arg8[%get3A_291, %get3A_292] {strides = array<i32>} : memref<64x768xf32, #tpu.memory_space<vmem>>, vector<1x16xf32>,
      %get3A_294 = vector.shape_cast %get3A_293 : vector<1x16xf32> to vector<16xf32>
      %get3A_295 = arith.index_cast %scan3A_12 : i32 to index
      %get3A_296 = arith.constant 320 : index
      %get3A_297 = tpu.vector_load %arg7[%get3A_295, %get3A_296] {strides = array<i32>} : memref<64x768xf32, #tpu.memory_space<vmem>>, vector<1x16xf32>,
      %get3A_298 = vector.shape_cast %get3A_297 : vector<1x16xf32> to vector<16xf32>
      %add3A_299 = arith.addf %get3A_294, %get3A_298 : vector<16xf32>
      %swap3A_300 = arith.index_cast %scan3A_12 : i32 to index
      %swap3A_301 = arith.constant 320 : index
      %swap3A_302 = tpu.vector_load %arg8[%swap3A_300, %swap3A_301] {strides = array<i32>} : memref<64x768xf32, #tpu.memory_space<vmem>>, vector<1x16xf32>,
      %swap3A_303 = vector.shape_cast %swap3A_302 : vector<1x16xf32> to vector<16xf32>
      %swap3A_304 = vector.shape_cast %add3A_299 : vector<16xf32> to vector<1x16xf32>
      tpu.vector_store %arg8[%swap3A_300, %swap3A_301], %swap3A_304 {strides = array<i32>} : memref<64x768xf32, #tpu.memory_space<vmem>>, vector<1x16xf32>,
      %get3A_305 = arith.index_cast %scan3A_12 : i32 to index
      %get3A_306 = arith.constant 336 : index
      %get3A_307 = tpu.vector_load %arg8[%get3A_305, %get3A_306] {strides = array<i32>} : memref<64x768xf32, #tpu.memory_space<vmem>>, vector<1x16xf32>,
      %get3A_308 = vector.shape_cast %get3A_307 : vector<1x16xf32> to vector<16xf32>
      %get3A_309 = arith.index_cast %scan3A_12 : i32 to index
      %get3A_310 = arith.constant 336 : index
      %get3A_311 = tpu.vector_load %arg7[%get3A_309, %get3A_310] {strides = array<i32>} : memref<64x768xf32, #tpu.memory_space<vmem>>, vector<1x16xf32>,
      %get3A_312 = vector.shape_cast %get3A_311 : vector<1x16xf32> to vector<16xf32>
      %add3A_313 = arith.addf %get3A_308, %get3A_312 : vector<16xf32>
      %swap3A_314 = arith.index_cast %scan3A_12 : i32 to index
      %swap3A_315 = arith.constant 336 : index
      %swap3A_316 = tpu.vector_load %arg8[%swap3A_314, %swap3A_315] {strides = array<i32>} : memref<64x768xf32, #tpu.memory_space<vmem>>, vector<1x16xf32>,
      %swap3A_317 = vector.shape_cast %swap3A_316 : vector<1x16xf32> to vector<16xf32>
      %swap3A_318 = vector.shape_cast %add3A_313 : vector<16xf32> to vector<1x16xf32>
      tpu.vector_store %arg8[%swap3A_314, %swap3A_315], %swap3A_318 {strides = array<i32>} : memref<64x768xf32, #tpu.memory_space<vmem>>, vector<1x16xf32>,
      %get3A_319 = arith.index_cast %scan3A_12 : i32 to index
      %get3A_320 = arith.constant 352 : index
      %get3A_321 = tpu.vector_load %arg8[%get3A_319, %get3A_320] {strides = array<i32>} : memref<64x768xf32, #tpu.memory_space<vmem>>, vector<1x16xf32>,
      %get3A_322 = vector.shape_cast %get3A_321 : vector<1x16xf32> to vector<16xf32>
      %get3A_323 = arith.index_cast %scan3A_12 : i32 to index
      %get3A_324 = arith.constant 352 : index
      %get3A_325 = tpu.vector_load %arg7[%get3A_323, %get3A_324] {strides = array<i32>} : memref<64x768xf32, #tpu.memory_space<vmem>>, vector<1x16xf32>,
      %get3A_326 = vector.shape_cast %get3A_325 : vector<1x16xf32> to vector<16xf32>
      %add3A_327 = arith.addf %get3A_322, %get3A_326 : vector<16xf32>
      %swap3A_328 = arith.index_cast %scan3A_12 : i32 to index
      %swap3A_329 = arith.constant 352 : index
      %swap3A_330 = tpu.vector_load %arg8[%swap3A_328, %swap3A_329] {strides = array<i32>} : memref<64x768xf32, #tpu.memory_space<vmem>>, vector<1x16xf32>,
      %swap3A_331 = vector.shape_cast %swap3A_330 : vector<1x16xf32> to vector<16xf32>
      %swap3A_332 = vector.shape_cast %add3A_327 : vector<16xf32> to vector<1x16xf32>
      tpu.vector_store %arg8[%swap3A_328, %swap3A_329], %swap3A_332 {strides = array<i32>} : memref<64x768xf32, #tpu.memory_space<vmem>>, vector<1x16xf32>,
      %get3A_333 = arith.index_cast %scan3A_12 : i32 to index
      %get3A_334 = arith.constant 368 : index
      %get3A_335 = tpu.vector_load %arg8[%get3A_333, %get3A_334] {strides = array<i32>} : memref<64x768xf32, #tpu.memory_space<vmem>>, vector<1x16xf32>,
      %get3A_336 = vector.shape_cast %get3A_335 : vector<1x16xf32> to vector<16xf32>
      %get3A_337 = arith.index_cast %scan3A_12 : i32 to index
      %get3A_338 = arith.constant 368 : index
      %get3A_339 = tpu.vector_load %arg7[%get3A_337, %get3A_338] {strides = array<i32>} : memref<64x768xf32, #tpu.memory_space<vmem>>, vector<1x16xf32>,
      %get3A_340 = vector.shape_cast %get3A_339 : vector<1x16xf32> to vector<16xf32>
      %add3A_341 = arith.addf %get3A_336, %get3A_340 : vector<16xf32>
      %swap3A_342 = arith.index_cast %scan3A_12 : i32 to index
      %swap3A_343 = arith.constant 368 : index
      %swap3A_344 = tpu.vector_load %arg8[%swap3A_342, %swap3A_343] {strides = array<i32>} : memref<64x768xf32, #tpu.memory_space<vmem>>, vector<1x16xf32>,
      %swap3A_345 = vector.shape_cast %swap3A_344 : vector<1x16xf32> to vector<16xf32>
      %swap3A_346 = vector.shape_cast %add3A_341 : vector<16xf32> to vector<1x16xf32>
      tpu.vector_store %arg8[%swap3A_342, %swap3A_343], %swap3A_346 {strides = array<i32>} : memref<64x768xf32, #tpu.memory_space<vmem>>, vector<1x16xf32>,
      %get3A_347 = arith.index_cast %scan3A_12 : i32 to index
      %get3A_348 = arith.constant 384 : index
      %get3A_349 = tpu.vector_load %arg8[%get3A_347, %get3A_348] {strides = array<i32>} : memref<64x768xf32, #tpu.memory_space<vmem>>, vector<1x16xf32>,
      %get3A_350 = vector.shape_cast %get3A_349 : vector<1x16xf32> to vector<16xf32>
      %get3A_351 = arith.index_cast %scan3A_12 : i32 to index
      %get3A_352 = arith.constant 384 : index
      %get3A_353 = tpu.vector_load %arg7[%get3A_351, %get3A_352] {strides = array<i32>} : memref<64x768xf32, #tpu.memory_space<vmem>>, vector<1x16xf32>,
      %get3A_354 = vector.shape_cast %get3A_353 : vector<1x16xf32> to vector<16xf32>
      %add3A_355 = arith.addf %get3A_350, %get3A_354 : vector<16xf32>
      %swap3A_356 = arith.index_cast %scan3A_12 : i32 to index
      %swap3A_357 = arith.constant 384 : index
      %swap3A_358 = tpu.vector_load %arg8[%swap3A_356, %swap3A_357] {strides = array<i32>} : memref<64x768xf32, #tpu.memory_space<vmem>>, vector<1x16xf32>,
      %swap3A_359 = vector.shape_cast %swap3A_358 : vector<1x16xf32> to vector<16xf32>
      %swap3A_360 = vector.shape_cast %add3A_355 : vector<16xf32> to vector<1x16xf32>
      tpu.vector_store %arg8[%swap3A_356, %swap3A_357], %swap3A_360 {strides = array<i32>} : memref<64x768xf32, #tpu.memory_space<vmem>>, vector<1x16xf32>,
      %get3A_361 = arith.index_cast %scan3A_12 : i32 to index
      %get3A_362 = arith.constant 400 : index
      %get3A_363 = tpu.vector_load %arg8[%get3A_361, %get3A_362] {strides = array<i32>} : memref<64x768xf32, #tpu.memory_space<vmem>>, vector<1x16xf32>,
      %get3A_364 = vector.shape_cast %get3A_363 : vector<1x16xf32> to vector<16xf32>
      %get3A_365 = arith.index_cast %scan3A_12 : i32 to index
      %get3A_366 = arith.constant 400 : index
      %get3A_367 = tpu.vector_load %arg7[%get3A_365, %get3A_366] {strides = array<i32>} : memref<64x768xf32, #tpu.memory_space<vmem>>, vector<1x16xf32>,
      %get3A_368 = vector.shape_cast %get3A_367 : vector<1x16xf32> to vector<16xf32>
      %add3A_369 = arith.addf %get3A_364, %get3A_368 : vector<16xf32>
      %swap3A_370 = arith.index_cast %scan3A_12 : i32 to index
      %swap3A_371 = arith.constant 400 : index
      %swap3A_372 = tpu.vector_load %arg8[%swap3A_370, %swap3A_371] {strides = array<i32>} : memref<64x768xf32, #tpu.memory_space<vmem>>, vector<1x16xf32>,
      %swap3A_373 = vector.shape_cast %swap3A_372 : vector<1x16xf32> to vector<16xf32>
      %swap3A_374 = vector.shape_cast %add3A_369 : vector<16xf32> to vector<1x16xf32>
      tpu.vector_store %arg8[%swap3A_370, %swap3A_371], %swap3A_374 {strides = array<i32>} : memref<64x768xf32, #tpu.memory_space<vmem>>, vector<1x16xf32>,
      %get3A_375 = arith.index_cast %scan3A_12 : i32 to index
      %get3A_376 = arith.constant 416 : index
      %get3A_377 = tpu.vector_load %arg8[%get3A_375, %get3A_376] {strides = array<i32>} : memref<64x768xf32, #tpu.memory_space<vmem>>, vector<1x16xf32>,
      %get3A_378 = vector.shape_cast %get3A_377 : vector<1x16xf32> to vector<16xf32>
      %get3A_379 = arith.index_cast %scan3A_12 : i32 to index
      %get3A_380 = arith.constant 416 : index
      %get3A_381 = tpu.vector_load %arg7[%get3A_379, %get3A_380] {strides = array<i32>} : memref<64x768xf32, #tpu.memory_space<vmem>>, vector<1x16xf32>,
      %get3A_382 = vector.shape_cast %get3A_381 : vector<1x16xf32> to vector<16xf32>
      %add3A_383 = arith.addf %get3A_378, %get3A_382 : vector<16xf32>
      %swap3A_384 = arith.index_cast %scan3A_12 : i32 to index
      %swap3A_385 = arith.constant 416 : index
      %swap3A_386 = tpu.vector_load %arg8[%swap3A_384, %swap3A_385] {strides = array<i32>} : memref<64x768xf32, #tpu.memory_space<vmem>>, vector<1x16xf32>,
      %swap3A_387 = vector.shape_cast %swap3A_386 : vector<1x16xf32> to vector<16xf32>
      %swap3A_388 = vector.shape_cast %add3A_383 : vector<16xf32> to vector<1x16xf32>
      tpu.vector_store %arg8[%swap3A_384, %swap3A_385], %swap3A_388 {strides = array<i32>} : memref<64x768xf32, #tpu.memory_space<vmem>>, vector<1x16xf32>,
      %get3A_389 = arith.index_cast %scan3A_12 : i32 to index
      %get3A_390 = arith.constant 432 : index
      %get3A_391 = tpu.vector_load %arg8[%get3A_389, %get3A_390] {strides = array<i32>} : memref<64x768xf32, #tpu.memory_space<vmem>>, vector<1x16xf32>,
      %get3A_392 = vector.shape_cast %get3A_391 : vector<1x16xf32> to vector<16xf32>
      %get3A_393 = arith.index_cast %scan3A_12 : i32 to index
      %get3A_394 = arith.constant 432 : index
      %get3A_395 = tpu.vector_load %arg7[%get3A_393, %get3A_394] {strides = array<i32>} : memref<64x768xf32, #tpu.memory_space<vmem>>, vector<1x16xf32>,
      %get3A_396 = vector.shape_cast %get3A_395 : vector<1x16xf32> to vector<16xf32>
      %add3A_397 = arith.addf %get3A_392, %get3A_396 : vector<16xf32>
      %swap3A_398 = arith.index_cast %scan3A_12 : i32 to index
      %swap3A_399 = arith.constant 432 : index
      %swap3A_400 = tpu.vector_load %arg8[%swap3A_398, %swap3A_399] {strides = array<i32>} : memref<64x768xf32, #tpu.memory_space<vmem>>, vector<1x16xf32>,
      %swap3A_401 = vector.shape_cast %swap3A_400 : vector<1x16xf32> to vector<16xf32>
      %swap3A_402 = vector.shape_cast %add3A_397 : vector<16xf32> to vector<1x16xf32>
      tpu.vector_store %arg8[%swap3A_398, %swap3A_399], %swap3A_402 {strides = array<i32>} : memref<64x768xf32, #tpu.memory_space<vmem>>, vector<1x16xf32>,
      %get3A_403 = arith.index_cast %scan3A_12 : i32 to index
      %get3A_404 = arith.constant 448 : index
      %get3A_405 = tpu.vector_load %arg8[%get3A_403, %get3A_404] {strides = array<i32>} : memref<64x768xf32, #tpu.memory_space<vmem>>, vector<1x16xf32>,
      %get3A_406 = vector.shape_cast %get3A_405 : vector<1x16xf32> to vector<16xf32>
      %get3A_407 = arith.index_cast %scan3A_12 : i32 to index
      %get3A_408 = arith.constant 448 : index
      %get3A_409 = tpu.vector_load %arg7[%get3A_407, %get3A_408] {strides = array<i32>} : memref<64x768xf32, #tpu.memory_space<vmem>>, vector<1x16xf32>,
      %get3A_410 = vector.shape_cast %get3A_409 : vector<1x16xf32> to vector<16xf32>
      %add3A_411 = arith.addf %get3A_406, %get3A_410 : vector<16xf32>
      %swap3A_412 = arith.index_cast %scan3A_12 : i32 to index
      %swap3A_413 = arith.constant 448 : index
      %swap3A_414 = tpu.vector_load %arg8[%swap3A_412, %swap3A_413] {strides = array<i32>} : memref<64x768xf32, #tpu.memory_space<vmem>>, vector<1x16xf32>,
      %swap3A_415 = vector.shape_cast %swap3A_414 : vector<1x16xf32> to vector<16xf32>
      %swap3A_416 = vector.shape_cast %add3A_411 : vector<16xf32> to vector<1x16xf32>
      tpu.vector_store %arg8[%swap3A_412, %swap3A_413], %swap3A_416 {strides = array<i32>} : memref<64x768xf32, #tpu.memory_space<vmem>>, vector<1x16xf32>,
      %get3A_417 = arith.index_cast %scan3A_12 : i32 to index
      %get3A_418 = arith.constant 464 : index
      %get3A_419 = tpu.vector_load %arg8[%get3A_417, %get3A_418] {strides = array<i32>} : memref<64x768xf32, #tpu.memory_space<vmem>>, vector<1x16xf32>,
      %get3A_420 = vector.shape_cast %get3A_419 : vector<1x16xf32> to vector<16xf32>
      %get3A_421 = arith.index_cast %scan3A_12 : i32 to index
      %get3A_422 = arith.constant 464 : index
      %get3A_423 = tpu.vector_load %arg7[%get3A_421, %get3A_422] {strides = array<i32>} : memref<64x768xf32, #tpu.memory_space<vmem>>, vector<1x16xf32>,
      %get3A_424 = vector.shape_cast %get3A_423 : vector<1x16xf32> to vector<16xf32>
      %add3A_425 = arith.addf %get3A_420, %get3A_424 : vector<16xf32>
      %swap3A_426 = arith.index_cast %scan3A_12 : i32 to index
      %swap3A_427 = arith.constant 464 : index
      %swap3A_428 = tpu.vector_load %arg8[%swap3A_426, %swap3A_427] {strides = array<i32>} : memref<64x768xf32, #tpu.memory_space<vmem>>, vector<1x16xf32>,
      %swap3A_429 = vector.shape_cast %swap3A_428 : vector<1x16xf32> to vector<16xf32>
      %swap3A_430 = vector.shape_cast %add3A_425 : vector<16xf32> to vector<1x16xf32>
      tpu.vector_store %arg8[%swap3A_426, %swap3A_427], %swap3A_430 {strides = array<i32>} : memref<64x768xf32, #tpu.memory_space<vmem>>, vector<1x16xf32>,
      %get3A_431 = arith.index_cast %scan3A_12 : i32 to index
      %get3A_432 = arith.constant 480 : index
      %get3A_433 = tpu.vector_load %arg8[%get3A_431, %get3A_432] {strides = array<i32>} : memref<64x768xf32, #tpu.memory_space<vmem>>, vector<1x16xf32>,
      %get3A_434 = vector.shape_cast %get3A_433 : vector<1x16xf32> to vector<16xf32>
      %get3A_435 = arith.index_cast %scan3A_12 : i32 to index
      %get3A_436 = arith.constant 480 : index
      %get3A_437 = tpu.vector_load %arg7[%get3A_435, %get3A_436] {strides = array<i32>} : memref<64x768xf32, #tpu.memory_space<vmem>>, vector<1x16xf32>,
      %get3A_438 = vector.shape_cast %get3A_437 : vector<1x16xf32> to vector<16xf32>
      %add3A_439 = arith.addf %get3A_434, %get3A_438 : vector<16xf32>
      %swap3A_440 = arith.index_cast %scan3A_12 : i32 to index
      %swap3A_441 = arith.constant 480 : index
      %swap3A_442 = tpu.vector_load %arg8[%swap3A_440, %swap3A_441] {strides = array<i32>} : memref<64x768xf32, #tpu.memory_space<vmem>>, vector<1x16xf32>,
      %swap3A_443 = vector.shape_cast %swap3A_442 : vector<1x16xf32> to vector<16xf32>
      %swap3A_444 = vector.shape_cast %add3A_439 : vector<16xf32> to vector<1x16xf32>
      tpu.vector_store %arg8[%swap3A_440, %swap3A_441], %swap3A_444 {strides = array<i32>} : memref<64x768xf32, #tpu.memory_space<vmem>>, vector<1x16xf32>,
      %get3A_445 = arith.index_cast %scan3A_12 : i32 to index
      %get3A_446 = arith.constant 496 : index
      %get3A_447 = tpu.vector_load %arg8[%get3A_445, %get3A_446] {strides = array<i32>} : memref<64x768xf32, #tpu.memory_space<vmem>>, vector<1x16xf32>,
      %get3A_448 = vector.shape_cast %get3A_447 : vector<1x16xf32> to vector<16xf32>
      %get3A_449 = arith.index_cast %scan3A_12 : i32 to index
      %get3A_450 = arith.constant 496 : index
      %get3A_451 = tpu.vector_load %arg7[%get3A_449, %get3A_450] {strides = array<i32>} : memref<64x768xf32, #tpu.memory_space<vmem>>, vector<1x16xf32>,
      %get3A_452 = vector.shape_cast %get3A_451 : vector<1x16xf32> to vector<16xf32>
      %add3A_453 = arith.addf %get3A_448, %get3A_452 : vector<16xf32>
      %swap3A_454 = arith.index_cast %scan3A_12 : i32 to index
      %swap3A_455 = arith.constant 496 : index
      %swap3A_456 = tpu.vector_load %arg8[%swap3A_454, %swap3A_455] {strides = array<i32>} : memref<64x768xf32, #tpu.memory_space<vmem>>, vector<1x16xf32>,
      %swap3A_457 = vector.shape_cast %swap3A_456 : vector<1x16xf32> to vector<16xf32>
      %swap3A_458 = vector.shape_cast %add3A_453 : vector<16xf32> to vector<1x16xf32>
      tpu.vector_store %arg8[%swap3A_454, %swap3A_455], %swap3A_458 {strides = array<i32>} : memref<64x768xf32, #tpu.memory_space<vmem>>, vector<1x16xf32>,
      %get3A_459 = arith.index_cast %scan3A_12 : i32 to index
      %get3A_460 = arith.constant 512 : index
      %get3A_461 = tpu.vector_load %arg8[%get3A_459, %get3A_460] {strides = array<i32>} : memref<64x768xf32, #tpu.memory_space<vmem>>, vector<1x16xf32>,
      %get3A_462 = vector.shape_cast %get3A_461 : vector<1x16xf32> to vector<16xf32>
      %get3A_463 = arith.index_cast %scan3A_12 : i32 to index
      %get3A_464 = arith.constant 512 : index
      %get3A_465 = tpu.vector_load %arg7[%get3A_463, %get3A_464] {strides = array<i32>} : memref<64x768xf32, #tpu.memory_space<vmem>>, vector<1x16xf32>,
      %get3A_466 = vector.shape_cast %get3A_465 : vector<1x16xf32> to vector<16xf32>
      %add3A_467 = arith.addf %get3A_462, %get3A_466 : vector<16xf32>
      %swap3A_468 = arith.index_cast %scan3A_12 : i32 to index
      %swap3A_469 = arith.constant 512 : index
      %swap3A_470 = tpu.vector_load %arg8[%swap3A_468, %swap3A_469] {strides = array<i32>} : memref<64x768xf32, #tpu.memory_space<vmem>>, vector<1x16xf32>,
      %swap3A_471 = vector.shape_cast %swap3A_470 : vector<1x16xf32> to vector<16xf32>
      %swap3A_472 = vector.shape_cast %add3A_467 : vector<16xf32> to vector<1x16xf32>
      tpu.vector_store %arg8[%swap3A_468, %swap3A_469], %swap3A_472 {strides = array<i32>} : memref<64x768xf32, #tpu.memory_space<vmem>>, vector<1x16xf32>,
      %get3A_473 = arith.index_cast %scan3A_12 : i32 to index
      %get3A_474 = arith.constant 528 : index
      %get3A_475 = tpu.vector_load %arg8[%get3A_473, %get3A_474] {strides = array<i32>} : memref<64x768xf32, #tpu.memory_space<vmem>>, vector<1x16xf32>,
      %get3A_476 = vector.shape_cast %get3A_475 : vector<1x16xf32> to vector<16xf32>
      %get3A_477 = arith.index_cast %scan3A_12 : i32 to index
      %get3A_478 = arith.constant 528 : index
      %get3A_479 = tpu.vector_load %arg7[%get3A_477, %get3A_478] {strides = array<i32>} : memref<64x768xf32, #tpu.memory_space<vmem>>, vector<1x16xf32>,
      %get3A_480 = vector.shape_cast %get3A_479 : vector<1x16xf32> to vector<16xf32>
      %add3A_481 = arith.addf %get3A_476, %get3A_480 : vector<16xf32>
      %swap3A_482 = arith.index_cast %scan3A_12 : i32 to index
      %swap3A_483 = arith.constant 528 : index
      %swap3A_484 = tpu.vector_load %arg8[%swap3A_482, %swap3A_483] {strides = array<i32>} : memref<64x768xf32, #tpu.memory_space<vmem>>, vector<1x16xf32>,
      %swap3A_485 = vector.shape_cast %swap3A_484 : vector<1x16xf32> to vector<16xf32>
      %swap3A_486 = vector.shape_cast %add3A_481 : vector<16xf32> to vector<1x16xf32>
      tpu.vector_store %arg8[%swap3A_482, %swap3A_483], %swap3A_486 {strides = array<i32>} : memref<64x768xf32, #tpu.memory_space<vmem>>, vector<1x16xf32>,
      %get3A_487 = arith.index_cast %scan3A_12 : i32 to index
      %get3A_488 = arith.constant 544 : index
      %get3A_489 = tpu.vector_load %arg8[%get3A_487, %get3A_488] {strides = array<i32>} : memref<64x768xf32, #tpu.memory_space<vmem>>, vector<1x16xf32>,
      %get3A_490 = vector.shape_cast %get3A_489 : vector<1x16xf32> to vector<16xf32>
      %get3A_491 = arith.index_cast %scan3A_12 : i32 to index
      %get3A_492 = arith.constant 544 : index
      %get3A_493 = tpu.vector_load %arg7[%get3A_491, %get3A_492] {strides = array<i32>} : memref<64x768xf32, #tpu.memory_space<vmem>>, vector<1x16xf32>,
      %get3A_494 = vector.shape_cast %get3A_493 : vector<1x16xf32> to vector<16xf32>
      %add3A_495 = arith.addf %get3A_490, %get3A_494 : vector<16xf32>
      %swap3A_496 = arith.index_cast %scan3A_12 : i32 to index
      %swap3A_497 = arith.constant 544 : index
      %swap3A_498 = tpu.vector_load %arg8[%swap3A_496, %swap3A_497] {strides = array<i32>} : memref<64x768xf32, #tpu.memory_space<vmem>>, vector<1x16xf32>,
      %swap3A_499 = vector.shape_cast %swap3A_498 : vector<1x16xf32> to vector<16xf32>
      %swap3A_500 = vector.shape_cast %add3A_495 : vector<16xf32> to vector<1x16xf32>
      tpu.vector_store %arg8[%swap3A_496, %swap3A_497], %swap3A_500 {strides = array<i32>} : memref<64x768xf32, #tpu.memory_space<vmem>>, vector<1x16xf32>,
      %get3A_501 = arith.index_cast %scan3A_12 : i32 to index
      %get3A_502 = arith.constant 560 : index
      %get3A_503 = tpu.vector_load %arg8[%get3A_501, %get3A_502] {strides = array<i32>} : memref<64x768xf32, #tpu.memory_space<vmem>>, vector<1x16xf32>,
      %get3A_504 = vector.shape_cast %get3A_503 : vector<1x16xf32> to vector<16xf32>
      %get3A_505 = arith.index_cast %scan3A_12 : i32 to index
      %get3A_506 = arith.constant 560 : index
      %get3A_507 = tpu.vector_load %arg7[%get3A_505, %get3A_506] {strides = array<i32>} : memref<64x768xf32, #tpu.memory_space<vmem>>, vector<1x16xf32>,
      %get3A_508 = vector.shape_cast %get3A_507 : vector<1x16xf32> to vector<16xf32>
      %add3A_509 = arith.addf %get3A_504, %get3A_508 : vector<16xf32>
      %swap3A_510 = arith.index_cast %scan3A_12 : i32 to index
      %swap3A_511 = arith.constant 560 : index
      %swap3A_512 = tpu.vector_load %arg8[%swap3A_510, %swap3A_511] {strides = array<i32>} : memref<64x768xf32, #tpu.memory_space<vmem>>, vector<1x16xf32>,
      %swap3A_513 = vector.shape_cast %swap3A_512 : vector<1x16xf32> to vector<16xf32>
      %swap3A_514 = vector.shape_cast %add3A_509 : vector<16xf32> to vector<1x16xf32>
      tpu.vector_store %arg8[%swap3A_510, %swap3A_511], %swap3A_514 {strides = array<i32>} : memref<64x768xf32, #tpu.memory_space<vmem>>, vector<1x16xf32>,
      %get3A_515 = arith.index_cast %scan3A_12 : i32 to index
      %get3A_516 = arith.constant 576 : index
      %get3A_517 = tpu.vector_load %arg8[%get3A_515, %get3A_516] {strides = array<i32>} : memref<64x768xf32, #tpu.memory_space<vmem>>, vector<1x16xf32>,
      %get3A_518 = vector.shape_cast %get3A_517 : vector<1x16xf32> to vector<16xf32>
      %get3A_519 = arith.index_cast %scan3A_12 : i32 to index
      %get3A_520 = arith.constant 576 : index
      %get3A_521 = tpu.vector_load %arg7[%get3A_519, %get3A_520] {strides = array<i32>} : memref<64x768xf32, #tpu.memory_space<vmem>>, vector<1x16xf32>,
      %get3A_522 = vector.shape_cast %get3A_521 : vector<1x16xf32> to vector<16xf32>
      %add3A_523 = arith.addf %get3A_518, %get3A_522 : vector<16xf32>
      %swap3A_524 = arith.index_cast %scan3A_12 : i32 to index
      %swap3A_525 = arith.constant 576 : index
      %swap3A_526 = tpu.vector_load %arg8[%swap3A_524, %swap3A_525] {strides = array<i32>} : memref<64x768xf32, #tpu.memory_space<vmem>>, vector<1x16xf32>,
      %swap3A_527 = vector.shape_cast %swap3A_526 : vector<1x16xf32> to vector<16xf32>
      %swap3A_528 = vector.shape_cast %add3A_523 : vector<16xf32> to vector<1x16xf32>
      tpu.vector_store %arg8[%swap3A_524, %swap3A_525], %swap3A_528 {strides = array<i32>} : memref<64x768xf32, #tpu.memory_space<vmem>>, vector<1x16xf32>,
      %get3A_529 = arith.index_cast %scan3A_12 : i32 to index
      %get3A_530 = arith.constant 592 : index
      %get3A_531 = tpu.vector_load %arg8[%get3A_529, %get3A_530] {strides = array<i32>} : memref<64x768xf32, #tpu.memory_space<vmem>>, vector<1x16xf32>,
      %get3A_532 = vector.shape_cast %get3A_531 : vector<1x16xf32> to vector<16xf32>
      %get3A_533 = arith.index_cast %scan3A_12 : i32 to index
      %get3A_534 = arith.constant 592 : index
      %get3A_535 = tpu.vector_load %arg7[%get3A_533, %get3A_534] {strides = array<i32>} : memref<64x768xf32, #tpu.memory_space<vmem>>, vector<1x16xf32>,
      %get3A_536 = vector.shape_cast %get3A_535 : vector<1x16xf32> to vector<16xf32>
      %add3A_537 = arith.addf %get3A_532, %get3A_536 : vector<16xf32>
      %swap3A_538 = arith.index_cast %scan3A_12 : i32 to index
      %swap3A_539 = arith.constant 592 : index
      %swap3A_540 = tpu.vector_load %arg8[%swap3A_538, %swap3A_539] {strides = array<i32>} : memref<64x768xf32, #tpu.memory_space<vmem>>, vector<1x16xf32>,
      %swap3A_541 = vector.shape_cast %swap3A_540 : vector<1x16xf32> to vector<16xf32>
      %swap3A_542 = vector.shape_cast %add3A_537 : vector<16xf32> to vector<1x16xf32>
      tpu.vector_store %arg8[%swap3A_538, %swap3A_539], %swap3A_542 {strides = array<i32>} : memref<64x768xf32, #tpu.memory_space<vmem>>, vector<1x16xf32>,
      %get3A_543 = arith.index_cast %scan3A_12 : i32 to index
      %get3A_544 = arith.constant 608 : index
      %get3A_545 = tpu.vector_load %arg8[%get3A_543, %get3A_544] {strides = array<i32>} : memref<64x768xf32, #tpu.memory_space<vmem>>, vector<1x16xf32>,
      %get3A_546 = vector.shape_cast %get3A_545 : vector<1x16xf32> to vector<16xf32>
      %get3A_547 = arith.index_cast %scan3A_12 : i32 to index
      %get3A_548 = arith.constant 608 : index
      %get3A_549 = tpu.vector_load %arg7[%get3A_547, %get3A_548] {strides = array<i32>} : memref<64x768xf32, #tpu.memory_space<vmem>>, vector<1x16xf32>,
      %get3A_550 = vector.shape_cast %get3A_549 : vector<1x16xf32> to vector<16xf32>
      %add3A_551 = arith.addf %get3A_546, %get3A_550 : vector<16xf32>
      %swap3A_552 = arith.index_cast %scan3A_12 : i32 to index
      %swap3A_553 = arith.constant 608 : index
      %swap3A_554 = tpu.vector_load %arg8[%swap3A_552, %swap3A_553] {strides = array<i32>} : memref<64x768xf32, #tpu.memory_space<vmem>>, vector<1x16xf32>,
      %swap3A_555 = vector.shape_cast %swap3A_554 : vector<1x16xf32> to vector<16xf32>
      %swap3A_556 = vector.shape_cast %add3A_551 : vector<16xf32> to vector<1x16xf32>
      tpu.vector_store %arg8[%swap3A_552, %swap3A_553], %swap3A_556 {strides = array<i32>} : memref<64x768xf32, #tpu.memory_space<vmem>>, vector<1x16xf32>,
      %get3A_557 = arith.index_cast %scan3A_12 : i32 to index
      %get3A_558 = arith.constant 624 : index
      %get3A_559 = tpu.vector_load %arg8[%get3A_557, %get3A_558] {strides = array<i32>} : memref<64x768xf32, #tpu.memory_space<vmem>>, vector<1x16xf32>,
      %get3A_560 = vector.shape_cast %get3A_559 : vector<1x16xf32> to vector<16xf32>
      %get3A_561 = arith.index_cast %scan3A_12 : i32 to index
      %get3A_562 = arith.constant 624 : index
      %get3A_563 = tpu.vector_load %arg7[%get3A_561, %get3A_562] {strides = array<i32>} : memref<64x768xf32, #tpu.memory_space<vmem>>, vector<1x16xf32>,
      %get3A_564 = vector.shape_cast %get3A_563 : vector<1x16xf32> to vector<16xf32>
      %add3A_565 = arith.addf %get3A_560, %get3A_564 : vector<16xf32>
      %swap3A_566 = arith.index_cast %scan3A_12 : i32 to index
      %swap3A_567 = arith.constant 624 : index
      %swap3A_568 = tpu.vector_load %arg8[%swap3A_566, %swap3A_567] {strides = array<i32>} : memref<64x768xf32, #tpu.memory_space<vmem>>, vector<1x16xf32>,
      %swap3A_569 = vector.shape_cast %swap3A_568 : vector<1x16xf32> to vector<16xf32>
      %swap3A_570 = vector.shape_cast %add3A_565 : vector<16xf32> to vector<1x16xf32>
      tpu.vector_store %arg8[%swap3A_566, %swap3A_567], %swap3A_570 {strides = array<i32>} : memref<64x768xf32, #tpu.memory_space<vmem>>, vector<1x16xf32>,
      %get3A_571 = arith.index_cast %scan3A_12 : i32 to index
      %get3A_572 = arith.constant 640 : index
      %get3A_573 = tpu.vector_load %arg8[%get3A_571, %get3A_572] {strides = array<i32>} : memref<64x768xf32, #tpu.memory_space<vmem>>, vector<1x16xf32>,
      %get3A_574 = vector.shape_cast %get3A_573 : vector<1x16xf32> to vector<16xf32>
      %get3A_575 = arith.index_cast %scan3A_12 : i32 to index
      %get3A_576 = arith.constant 640 : index
      %get3A_577 = tpu.vector_load %arg7[%get3A_575, %get3A_576] {strides = array<i32>} : memref<64x768xf32, #tpu.memory_space<vmem>>, vector<1x16xf32>,
      %get3A_578 = vector.shape_cast %get3A_577 : vector<1x16xf32> to vector<16xf32>
      %add3A_579 = arith.addf %get3A_574, %get3A_578 : vector<16xf32>
      %swap3A_580 = arith.index_cast %scan3A_12 : i32 to index
      %swap3A_581 = arith.constant 640 : index
      %swap3A_582 = tpu.vector_load %arg8[%swap3A_580, %swap3A_581] {strides = array<i32>} : memref<64x768xf32, #tpu.memory_space<vmem>>, vector<1x16xf32>,
      %swap3A_583 = vector.shape_cast %swap3A_582 : vector<1x16xf32> to vector<16xf32>
      %swap3A_584 = vector.shape_cast %add3A_579 : vector<16xf32> to vector<1x16xf32>
      tpu.vector_store %arg8[%swap3A_580, %swap3A_581], %swap3A_584 {strides = array<i32>} : memref<64x768xf32, #tpu.memory_space<vmem>>, vector<1x16xf32>,
      %get3A_585 = arith.index_cast %scan3A_12 : i32 to index
      %get3A_586 = arith.constant 656 : index
      %get3A_587 = tpu.vector_load %arg8[%get3A_585, %get3A_586] {strides = array<i32>} : memref<64x768xf32, #tpu.memory_space<vmem>>, vector<1x16xf32>,
      %get3A_588 = vector.shape_cast %get3A_587 : vector<1x16xf32> to vector<16xf32>
      %get3A_589 = arith.index_cast %scan3A_12 : i32 to index
      %get3A_590 = arith.constant 656 : index
      %get3A_591 = tpu.vector_load %arg7[%get3A_589, %get3A_590] {strides = array<i32>} : memref<64x768xf32, #tpu.memory_space<vmem>>, vector<1x16xf32>,
      %get3A_592 = vector.shape_cast %get3A_591 : vector<1x16xf32> to vector<16xf32>
      %add3A_593 = arith.addf %get3A_588, %get3A_592 : vector<16xf32>
      %swap3A_594 = arith.index_cast %scan3A_12 : i32 to index
      %swap3A_595 = arith.constant 656 : index
      %swap3A_596 = tpu.vector_load %arg8[%swap3A_594, %swap3A_595] {strides = array<i32>} : memref<64x768xf32, #tpu.memory_space<vmem>>, vector<1x16xf32>,
      %swap3A_597 = vector.shape_cast %swap3A_596 : vector<1x16xf32> to vector<16xf32>
      %swap3A_598 = vector.shape_cast %add3A_593 : vector<16xf32> to vector<1x16xf32>
      tpu.vector_store %arg8[%swap3A_594, %swap3A_595], %swap3A_598 {strides = array<i32>} : memref<64x768xf32, #tpu.memory_space<vmem>>, vector<1x16xf32>,
      %get3A_599 = arith.index_cast %scan3A_12 : i32 to index
      %get3A_600 = arith.constant 672 : index
      %get3A_601 = tpu.vector_load %arg8[%get3A_599, %get3A_600] {strides = array<i32>} : memref<64x768xf32, #tpu.memory_space<vmem>>, vector<1x16xf32>,
      %get3A_602 = vector.shape_cast %get3A_601 : vector<1x16xf32> to vector<16xf32>
      %get3A_603 = arith.index_cast %scan3A_12 : i32 to index
      %get3A_604 = arith.constant 672 : index
      %get3A_605 = tpu.vector_load %arg7[%get3A_603, %get3A_604] {strides = array<i32>} : memref<64x768xf32, #tpu.memory_space<vmem>>, vector<1x16xf32>,
      %get3A_606 = vector.shape_cast %get3A_605 : vector<1x16xf32> to vector<16xf32>
      %add3A_607 = arith.addf %get3A_602, %get3A_606 : vector<16xf32>
      %swap3A_608 = arith.index_cast %scan3A_12 : i32 to index
      %swap3A_609 = arith.constant 672 : index
      %swap3A_610 = tpu.vector_load %arg8[%swap3A_608, %swap3A_609] {strides = array<i32>} : memref<64x768xf32, #tpu.memory_space<vmem>>, vector<1x16xf32>,
      %swap3A_611 = vector.shape_cast %swap3A_610 : vector<1x16xf32> to vector<16xf32>
      %swap3A_612 = vector.shape_cast %add3A_607 : vector<16xf32> to vector<1x16xf32>
      tpu.vector_store %arg8[%swap3A_608, %swap3A_609], %swap3A_612 {strides = array<i32>} : memref<64x768xf32, #tpu.memory_space<vmem>>, vector<1x16xf32>,
      %get3A_613 = arith.index_cast %scan3A_12 : i32 to index
      %get3A_614 = arith.constant 688 : index
      %get3A_615 = tpu.vector_load %arg8[%get3A_613, %get3A_614] {strides = array<i32>} : memref<64x768xf32, #tpu.memory_space<vmem>>, vector<1x16xf32>,
      %get3A_616 = vector.shape_cast %get3A_615 : vector<1x16xf32> to vector<16xf32>
      %get3A_617 = arith.index_cast %scan3A_12 : i32 to index
      %get3A_618 = arith.constant 688 : index
      %get3A_619 = tpu.vector_load %arg7[%get3A_617, %get3A_618] {strides = array<i32>} : memref<64x768xf32, #tpu.memory_space<vmem>>, vector<1x16xf32>,
      %get3A_620 = vector.shape_cast %get3A_619 : vector<1x16xf32> to vector<16xf32>
      %add3A_621 = arith.addf %get3A_616, %get3A_620 : vector<16xf32>
      %swap3A_622 = arith.index_cast %scan3A_12 : i32 to index
      %swap3A_623 = arith.constant 688 : index
      %swap3A_624 = tpu.vector_load %arg8[%swap3A_622, %swap3A_623] {strides = array<i32>} : memref<64x768xf32, #tpu.memory_space<vmem>>, vector<1x16xf32>,
      %swap3A_625 = vector.shape_cast %swap3A_624 : vector<1x16xf32> to vector<16xf32>
      %swap3A_626 = vector.shape_cast %add3A_621 : vector<16xf32> to vector<1x16xf32>
      tpu.vector_store %arg8[%swap3A_622, %swap3A_623], %swap3A_626 {strides = array<i32>} : memref<64x768xf32, #tpu.memory_space<vmem>>, vector<1x16xf32>,
      %get3A_627 = arith.index_cast %scan3A_12 : i32 to index
      %get3A_628 = arith.constant 704 : index
      %get3A_629 = tpu.vector_load %arg8[%get3A_627, %get3A_628] {strides = array<i32>} : memref<64x768xf32, #tpu.memory_space<vmem>>, vector<1x16xf32>,
      %get3A_630 = vector.shape_cast %get3A_629 : vector<1x16xf32> to vector<16xf32>
      %get3A_631 = arith.index_cast %scan3A_12 : i32 to index
      %get3A_632 = arith.constant 704 : index
      %get3A_633 = tpu.vector_load %arg7[%get3A_631, %get3A_632] {strides = array<i32>} : memref<64x768xf32, #tpu.memory_space<vmem>>, vector<1x16xf32>,
      %get3A_634 = vector.shape_cast %get3A_633 : vector<1x16xf32> to vector<16xf32>
      %add3A_635 = arith.addf %get3A_630, %get3A_634 : vector<16xf32>
      %swap3A_636 = arith.index_cast %scan3A_12 : i32 to index
      %swap3A_637 = arith.constant 704 : index
      %swap3A_638 = tpu.vector_load %arg8[%swap3A_636, %swap3A_637] {strides = array<i32>} : memref<64x768xf32, #tpu.memory_space<vmem>>, vector<1x16xf32>,
      %swap3A_639 = vector.shape_cast %swap3A_638 : vector<1x16xf32> to vector<16xf32>
      %swap3A_640 = vector.shape_cast %add3A_635 : vector<16xf32> to vector<1x16xf32>
      tpu.vector_store %arg8[%swap3A_636, %swap3A_637], %swap3A_640 {strides = array<i32>} : memref<64x768xf32, #tpu.memory_space<vmem>>, vector<1x16xf32>,
      %get3A_641 = arith.index_cast %scan3A_12 : i32 to index
      %get3A_642 = arith.constant 720 : index
      %get3A_643 = tpu.vector_load %arg8[%get3A_641, %get3A_642] {strides = array<i32>} : memref<64x768xf32, #tpu.memory_space<vmem>>, vector<1x16xf32>,
      %get3A_644 = vector.shape_cast %get3A_643 : vector<1x16xf32> to vector<16xf32>
      %get3A_645 = arith.index_cast %scan3A_12 : i32 to index
      %get3A_646 = arith.constant 720 : index
      %get3A_647 = tpu.vector_load %arg7[%get3A_645, %get3A_646] {strides = array<i32>} : memref<64x768xf32, #tpu.memory_space<vmem>>, vector<1x16xf32>,
      %get3A_648 = vector.shape_cast %get3A_647 : vector<1x16xf32> to vector<16xf32>
      %add3A_649 = arith.addf %get3A_644, %get3A_648 : vector<16xf32>
      %swap3A_650 = arith.index_cast %scan3A_12 : i32 to index
      %swap3A_651 = arith.constant 720 : index
      %swap3A_652 = tpu.vector_load %arg8[%swap3A_650, %swap3A_651] {strides = array<i32>} : memref<64x768xf32, #tpu.memory_space<vmem>>, vector<1x16xf32>,
      %swap3A_653 = vector.shape_cast %swap3A_652 : vector<1x16xf32> to vector<16xf32>
      %swap3A_654 = vector.shape_cast %add3A_649 : vector<16xf32> to vector<1x16xf32>
      tpu.vector_store %arg8[%swap3A_650, %swap3A_651], %swap3A_654 {strides = array<i32>} : memref<64x768xf32, #tpu.memory_space<vmem>>, vector<1x16xf32>,
      %get3A_655 = arith.index_cast %scan3A_12 : i32 to index
      %get3A_656 = arith.constant 736 : index
      %get3A_657 = tpu.vector_load %arg8[%get3A_655, %get3A_656] {strides = array<i32>} : memref<64x768xf32, #tpu.memory_space<vmem>>, vector<1x16xf32>,
      %get3A_658 = vector.shape_cast %get3A_657 : vector<1x16xf32> to vector<16xf32>
      %get3A_659 = arith.index_cast %scan3A_12 : i32 to index
      %get3A_660 = arith.constant 736 : index
      %get3A_661 = tpu.vector_load %arg7[%get3A_659, %get3A_660] {strides = array<i32>} : memref<64x768xf32, #tpu.memory_space<vmem>>, vector<1x16xf32>,
      %get3A_662 = vector.shape_cast %get3A_661 : vector<1x16xf32> to vector<16xf32>
      %add3A_663 = arith.addf %get3A_658, %get3A_662 : vector<16xf32>
      %swap3A_664 = arith.index_cast %scan3A_12 : i32 to index
      %swap3A_665 = arith.constant 736 : index
      %swap3A_666 = tpu.vector_load %arg8[%swap3A_664, %swap3A_665] {strides = array<i32>} : memref<64x768xf32, #tpu.memory_space<vmem>>, vector<1x16xf32>,
      %swap3A_667 = vector.shape_cast %swap3A_666 : vector<1x16xf32> to vector<16xf32>
      %swap3A_668 = vector.shape_cast %add3A_663 : vector<16xf32> to vector<1x16xf32>
      tpu.vector_store %arg8[%swap3A_664, %swap3A_665], %swap3A_668 {strides = array<i32>} : memref<64x768xf32, #tpu.memory_space<vmem>>, vector<1x16xf32>,
      %get3A_669 = arith.index_cast %scan3A_12 : i32 to index
      %get3A_670 = arith.constant 752 : index
      %get3A_671 = tpu.vector_load %arg8[%get3A_669, %get3A_670] {strides = array<i32>} : memref<64x768xf32, #tpu.memory_space<vmem>>, vector<1x16xf32>,
      %get3A_672 = vector.shape_cast %get3A_671 : vector<1x16xf32> to vector<16xf32>
      %get3A_673 = arith.index_cast %scan3A_12 : i32 to index
      %get3A_674 = arith.constant 752 : index
      %get3A_675 = tpu.vector_load %arg7[%get3A_673, %get3A_674] {strides = array<i32>} : memref<64x768xf32, #tpu.memory_space<vmem>>, vector<1x16xf32>,
      %get3A_676 = vector.shape_cast %get3A_675 : vector<1x16xf32> to vector<16xf32>
      %add3A_677 = arith.addf %get3A_672, %get3A_676 : vector<16xf32>
      %swap3A_678 = arith.index_cast %scan3A_12 : i32 to index
      %swap3A_679 = arith.constant 752 : index
      %swap3A_680 = tpu.vector_load %arg8[%swap3A_678, %swap3A_679] {strides = array<i32>} : memref<64x768xf32, #tpu.memory_space<vmem>>, vector<1x16xf32>,
      %swap3A_681 = vector.shape_cast %swap3A_680 : vector<1x16xf32> to vector<16xf32>
      %swap3A_682 = vector.shape_cast %add3A_677 : vector<16xf32> to vector<1x16xf32>
      tpu.vector_store %arg8[%swap3A_678, %swap3A_679], %swap3A_682 {strides = array<i32>} : memref<64x768xf32, #tpu.memory_space<vmem>>, vector<1x16xf32>,
    }
    %scan3A_11 = arith.constant 64 : i32
    "tpu.region"() ({
      %run_scoped3A = tpu.sem_alloc : memref<!tpu.dma_semaphore, #tpu.memory_space<semaphore_mem>>
      %dma_start3A_12 = arith.constant 0 : i32
      %dma_start3A_13 = tpu.memref_slice %arg5[%mul3A_2, %dma_start3A_12] : memref<2048x768xf32, #tpu.memory_space<hbm>> -> memref<64x768xf32, #tpu.memory_space<hbm>>
      %dma_start3A_14 = arith.constant 0 : i32
      %dma_start3A_15 = tpu.memref_slice %arg5[%mul3A_2, %dma_start3A_14] : memref<2048x768xf32, #tpu.memory_space<hbm>> -> memref<64x768xf32, #tpu.memory_space<hbm>>
      tpu.enqueue_dma source(%arg8 : memref<64x768xf32, #tpu.memory_space<vmem>>) target(%dma_start3A_15 : memref<64x768xf32, #tpu.memory_space<hbm>>) target_semaphore(%run_scoped3A : memref<!tpu.dma_semaphore, #tpu.memory_space<semaphore_mem>>)
      %dma_wait3A_16 = arith.constant 0 : i32
      %dma_wait3A_17 = tpu.memref_slice %arg5[%mul3A_2, %dma_wait3A_16] : memref<2048x768xf32, #tpu.memory_space<hbm>> -> memref<64x768xf32, #tpu.memory_space<hbm>>
      %dma_wait3A_18 = arith.constant 0 : i32
      %dma_wait3A_19 = tpu.memref_slice %arg5[%mul3A_2, %dma_wait3A_18] : memref<2048x768xf32, #tpu.memory_space<hbm>> -> memref<64x768xf32, #tpu.memory_space<hbm>>
      tpu.wait_dma2 semaphore(%run_scoped3A : memref<!tpu.dma_semaphore, #tpu.memory_space<semaphore_mem>>) src(%arg8 : memref<64x768xf32, #tpu.memory_space<vmem>>) dst(%dma_wait3A_19 : memref<64x768xf32, #tpu.memory_space<hbm>>)
      tpu.yield
    }) : () -> ()
    return
  }
}

module attributes {stable_mosaic.version = 14 : i64} {
  func.func @_route_body(%arg0: memref<2048x768xf32, #tpu.memory_space<vmem>>, %arg1: memref<1x768xf32, #tpu.memory_space<vmem>>, %arg2: memref<1x768xf32, #tpu.memory_space<vmem>>, %arg3: memref<768x8xf32, #tpu.memory_space<vmem>>, %arg4: memref<1x8xf32, #tpu.memory_space<vmem>>, %arg5: memref<2048x384xi32, #tpu.memory_space<vmem>>, %arg6: memref<2048x1xi32, #tpu.memory_space<vmem>>, %arg7: memref<15x1xi32, #tpu.memory_space<vmem>>, %arg8: memref<15x1xi32, #tpu.memory_space<vmem>>, %arg9: memref<1x1xf32, #tpu.memory_space<vmem>>) attributes {dimension_semantics = [], scalar_prefetch = 0 : i64, scratch_operands = 0 : i64, tpu.core_type = #tpu.core_type<tc>} {
    %get3A = arith.constant 0 : index
    %get3A_0 = arith.constant 0 : index
    %get3A_1 = vector.load %arg0[%get3A, %get3A_0] : memref<2048x768xf32, #tpu.memory_space<vmem>>, vector<2048x768xf32>
    %reduce_sum3A = arith.constant dense<0.000000e+00> : vector<2048xf32>
    %reduce_sum3A_2 = vector.multi_reduction <add>, %get3A_1, %reduce_sum3A [1] : vector<2048x768xf32> to vector<2048xf32>
    %broadcast_in_dim3A = vector.shape_cast %reduce_sum3A_2 : vector<2048xf32> to vector<2048x1xf32>
    %div3A = arith.constant 7.680000e+02 : f32
    %div3A_3 = vector.broadcast %div3A : f32 to vector<2048x1xf32>
    %div3A_4 = arith.divf %broadcast_in_dim3A, %div3A_3 : vector<2048x1xf32>
    %sub3A = vector.broadcast %div3A_4 : vector<2048x1xf32> to vector<2048x768xf32>
    %sub3A_5 = arith.subf %get3A_1, %sub3A : vector<2048x768xf32>
    %mul3A = arith.mulf %sub3A_5, %sub3A_5 : vector<2048x768xf32>
    %reduce_sum3A_6 = arith.constant dense<0.000000e+00> : vector<2048xf32>
    %reduce_sum3A_7 = vector.multi_reduction <add>, %mul3A, %reduce_sum3A_6 [1] : vector<2048x768xf32> to vector<2048xf32>
    %broadcast_in_dim3A_8 = vector.shape_cast %reduce_sum3A_7 : vector<2048xf32> to vector<2048x1xf32>
    %div3A_9 = arith.constant 7.680000e+02 : f32
    %div3A_10 = vector.broadcast %div3A_9 : f32 to vector<2048x1xf32>
    %div3A_11 = arith.divf %broadcast_in_dim3A_8, %div3A_10 : vector<2048x1xf32>
    %add3A = arith.constant 9.99999974E-6 : f32
    %add3A_12 = vector.broadcast %add3A : f32 to vector<2048x1xf32>
    %add3A_13 = arith.addf %div3A_11, %add3A_12 : vector<2048x1xf32>
    %rsqrt3A = math.rsqrt %add3A_13 : vector<2048x1xf32>
    %mul3A_14 = vector.broadcast %rsqrt3A : vector<2048x1xf32> to vector<2048x768xf32>
    %mul3A_15 = arith.mulf %sub3A_5, %mul3A_14 : vector<2048x768xf32>
    %get3A_16 = arith.constant 0 : index
    %get3A_17 = arith.constant 0 : index
    %get3A_18 = vector.load %arg1[%get3A_16, %get3A_17] : memref<1x768xf32, #tpu.memory_space<vmem>>, vector<1x768xf32>
    %mul3A_19 = vector.broadcast %get3A_18 : vector<1x768xf32> to vector<2048x768xf32>
    %mul3A_20 = arith.mulf %mul3A_15, %mul3A_19 : vector<2048x768xf32>
    %get3A_21 = arith.constant 0 : index
    %get3A_22 = arith.constant 0 : index
    %get3A_23 = vector.load %arg2[%get3A_21, %get3A_22] : memref<1x768xf32, #tpu.memory_space<vmem>>, vector<1x768xf32>
    %add3A_24 = vector.broadcast %get3A_23 : vector<1x768xf32> to vector<2048x768xf32>
    %add3A_25 = arith.addf %mul3A_20, %add3A_24 : vector<2048x768xf32>
    %bitcast_convert_type3A = tpu.bitcast %add3A_25 : vector<2048x768xf32> -> vector<2048x768xi32>
    %slice3A = vector.extract_strided_slice %bitcast_convert_type3A {offsets = [0, 0], sizes = [2048, 384], strides = [1, 1]} : vector<2048x768xi32> to vector<2048x384xi32>
    %shift_right_logical3A = arith.constant 16 : i32
    %shift_right_logical3A_26 = vector.broadcast %shift_right_logical3A : i32 to vector<2048x384xi32>
    %shift_right_logical3A_27 = arith.shrui %slice3A, %shift_right_logical3A_26 : vector<2048x384xi32>
    %and3A = arith.constant 1 : i32
    %and3A_28 = vector.broadcast %and3A : i32 to vector<2048x384xi32>
    %and3A_29 = arith.andi %shift_right_logical3A_27, %and3A_28 : vector<2048x384xi32>
    %add3A_30 = arith.constant 32767 : i32
    %add3A_31 = vector.broadcast %add3A_30 : i32 to vector<2048x384xi32>
    %add3A_32 = arith.addi %slice3A, %add3A_31 : vector<2048x384xi32>
    %add3A_33 = arith.addi %add3A_32, %and3A_29 : vector<2048x384xi32>
    %shift_right_logical3A_34 = arith.constant 16 : i32
    %shift_right_logical3A_35 = vector.broadcast %shift_right_logical3A_34 : i32 to vector<2048x384xi32>
    %shift_right_logical3A_36 = arith.shrui %add3A_33, %shift_right_logical3A_35 : vector<2048x384xi32>
    %slice3A_37 = vector.extract_strided_slice %bitcast_convert_type3A {offsets = [0, 384], sizes = [2048, 384], strides = [1, 1]} : vector<2048x768xi32> to vector<2048x384xi32>
    %shift_right_logical3A_38 = arith.constant 16 : i32
    %shift_right_logical3A_39 = vector.broadcast %shift_right_logical3A_38 : i32 to vector<2048x384xi32>
    %shift_right_logical3A_40 = arith.shrui %slice3A_37, %shift_right_logical3A_39 : vector<2048x384xi32>
    %and3A_41 = arith.constant 1 : i32
    %and3A_42 = vector.broadcast %and3A_41 : i32 to vector<2048x384xi32>
    %and3A_43 = arith.andi %shift_right_logical3A_40, %and3A_42 : vector<2048x384xi32>
    %add3A_44 = arith.constant 32767 : i32
    %add3A_45 = vector.broadcast %add3A_44 : i32 to vector<2048x384xi32>
    %add3A_46 = arith.addi %slice3A_37, %add3A_45 : vector<2048x384xi32>
    %add3A_47 = arith.addi %add3A_46, %and3A_43 : vector<2048x384xi32>
    %shift_right_logical3A_48 = arith.constant 16 : i32
    %shift_right_logical3A_49 = vector.broadcast %shift_right_logical3A_48 : i32 to vector<2048x384xi32>
    %shift_right_logical3A_50 = arith.shrui %add3A_47, %shift_right_logical3A_49 : vector<2048x384xi32>
    %shift_left3A = arith.constant 16 : i32
    %shift_left3A_51 = vector.broadcast %shift_left3A : i32 to vector<2048x384xi32>
    %shift_left3A_52 = arith.shli %shift_right_logical3A_50, %shift_left3A_51 : vector<2048x384xi32>
    %or3A = arith.ori %shift_left3A_52, %shift_right_logical3A_36 : vector<2048x384xi32>
    %swap3A = arith.constant 0 : index
    %swap3A_53 = arith.constant 0 : index
    %swap3A_54 = vector.load %arg5[%swap3A, %swap3A_53] : memref<2048x384xi32, #tpu.memory_space<vmem>>, vector<2048x384xi32>
    tpu.vector_store %arg5[%swap3A, %swap3A_53], %or3A {strides = array<i32>} : memref<2048x384xi32, #tpu.memory_space<vmem>>, vector<2048x384xi32>,
    %get3A_55 = arith.constant 0 : index
    %get3A_56 = arith.constant 0 : index
    %get3A_57 = vector.load %arg3[%get3A_55, %get3A_56] : memref<768x8xf32, #tpu.memory_space<vmem>>, vector<768x8xf32>
    %dot_general3A = arith.constant dense<0.000000e+00> : vector<2048x8xf32>
    %dot_general3A_58 = tpu.matmul %add3A_25, %get3A_57, %dot_general3A {dimension_numbers = #tpu.dot_dimension_numbers<[1], [0], [0], [1], [0, 0, 1, 1], [], []>, transpose_lhs_hint = false} : vector<2048x768xf32>, vector<768x8xf32>, vector<2048x8xf32> -> vector<2048x8xf32>
    %get3A_59 = arith.constant 0 : index
    %get3A_60 = arith.constant 0 : index
    %get3A_61 = vector.load %arg4[%get3A_59, %get3A_60] : memref<1x8xf32, #tpu.memory_space<vmem>>, vector<1x8xf32>
    %add3A_62 = vector.broadcast %get3A_61 : vector<1x8xf32> to vector<2048x8xf32>
    %add3A_63 = arith.addf %dot_general3A_58, %add3A_62 : vector<2048x8xf32>
    %reduce_max3A = arith.constant dense<0xFF800000> : vector<2048xf32>
    %reduce_max3A_64 = vector.multi_reduction <maximumf>, %add3A_63, %reduce_max3A [1] : vector<2048x8xf32> to vector<2048xf32>
    %broadcast_in_dim3A_65 = vector.shape_cast %reduce_max3A_64 : vector<2048xf32> to vector<2048x1xf32>
    %sub3A_66 = vector.broadcast %broadcast_in_dim3A_65 : vector<2048x1xf32> to vector<2048x8xf32>
    %sub3A_67 = arith.subf %add3A_63, %sub3A_66 : vector<2048x8xf32>
    %exp3A = math.exp %sub3A_67 : vector<2048x8xf32>
    %reduce_sum3A_68 = arith.constant dense<0.000000e+00> : vector<2048xf32>
    %reduce_sum3A_69 = vector.multi_reduction <add>, %exp3A, %reduce_sum3A_68 [1] : vector<2048x8xf32> to vector<2048xf32>
    %broadcast_in_dim3A_70 = vector.shape_cast %reduce_sum3A_69 : vector<2048xf32> to vector<2048x1xf32>
    %div3A_71 = vector.broadcast %broadcast_in_dim3A_70 : vector<2048x1xf32> to vector<2048x8xf32>
    %div3A_72 = arith.divf %exp3A, %div3A_71 : vector<2048x8xf32>
    %iota3A = tpu.iota {dimensions = array<i32: 1>} : vector<2048x8xi32>
    %reduce_max3A_73 = arith.constant dense<0xFF800000> : vector<2048xf32>
    %reduce_max3A_74 = vector.multi_reduction <maximumf>, %div3A_72, %reduce_max3A_73 [1] : vector<2048x8xf32> to vector<2048xf32>
    %broadcast_in_dim3A_75 = vector.shape_cast %reduce_max3A_74 : vector<2048xf32> to vector<2048x1xf32>
    %eq3A = vector.broadcast %broadcast_in_dim3A_75 : vector<2048x1xf32> to vector<2048x8xf32>
    %eq3A_76 = arith.cmpf oeq, %div3A_72, %eq3A : vector<2048x8xf32>
    %jit3A = arith.constant 8 : i32
    %broadcast_in_dim3A_77 = vector.broadcast %jit3A : i32 to vector<2048x8xi32>
    %select_n3A = arith.select %eq3A_76, %iota3A, %broadcast_in_dim3A_77 : vector<2048x8xi1>, vector<2048x8xi32>
    %reduce_min3A = arith.constant dense<2147483647> : vector<2048xi32>
    %reduce_min3A_78 = vector.multi_reduction <minsi>, %select_n3A, %reduce_min3A [1] : vector<2048x8xi32> to vector<2048xi32>
    %broadcast_in_dim3A_79 = vector.shape_cast %reduce_min3A_78 : vector<2048xi32> to vector<2048x1xi32>
    %eq3A_80 = vector.broadcast %broadcast_in_dim3A_79 : vector<2048x1xi32> to vector<2048x8xi32>
    %eq3A_81 = arith.cmpi eq, %iota3A, %eq3A_80 : vector<2048x8xi32>
    %convert_element_type3A = arith.extui %eq3A_81 : vector<2048x8xi1> to vector<2048x8xi32>
    %convert_element_type3A_82 = arith.sitofp %convert_element_type3A : vector<2048x8xi32> to vector<2048x8xf32>
    %reduce_sum3A_83 = arith.constant dense<0.000000e+00> : vector<8xf32>
    %reduce_sum3A_84 = vector.multi_reduction <add>, %convert_element_type3A_82, %reduce_sum3A_83 [0] : vector<2048x8xf32> to vector<8xf32>
    %broadcast_in_dim3A_85 = vector.shape_cast %reduce_sum3A_84 : vector<8xf32> to vector<1x8xf32>
    %reduce_sum3A_86 = arith.constant dense<0.000000e+00> : vector<8xf32>
    %reduce_sum3A_87 = vector.multi_reduction <add>, %div3A_72, %reduce_sum3A_86 [0] : vector<2048x8xf32> to vector<8xf32>
    %broadcast_in_dim3A_88 = vector.shape_cast %reduce_sum3A_87 : vector<8xf32> to vector<1x8xf32>
    %mul3A_89 = arith.constant 4.8828125E-4 : f32
    %mul3A_90 = vector.broadcast %mul3A_89 : f32 to vector<1x8xf32>
    %mul3A_91 = arith.mulf %broadcast_in_dim3A_88, %mul3A_90 : vector<1x8xf32>
    %mul3A_92 = arith.mulf %mul3A_91, %broadcast_in_dim3A_85 : vector<1x8xf32>
    %mul3A_93 = arith.constant 4.8828125E-4 : f32
    %mul3A_94 = vector.broadcast %mul3A_93 : f32 to vector<1x8xf32>
    %mul3A_95 = arith.mulf %mul3A_92, %mul3A_94 : vector<1x8xf32>
    %reduce_sum3A_96 = vector.shape_cast %mul3A_95 : vector<1x8xf32> to vector<1x1x8xf32>
    %reduce_sum3A_97 = arith.constant dense<0.000000e+00> : vector<1xf32>
    %reduce_sum3A_98 = vector.multi_reduction <add>, %reduce_sum3A_96, %reduce_sum3A_97 [1, 2] : vector<1x1x8xf32> to vector<1xf32>
    %reduce_sum3A_99 = vector.shape_cast %reduce_sum3A_98 : vector<1xf32> to vector<1x1x1xf32>
    %reduce_sum3A_100 = vector.extract %reduce_sum3A_99[0, 0, 0] : f32 from vector<1x1x1xf32>
    %broadcast_in_dim3A_101 = vector.broadcast %reduce_sum3A_100 : f32 to vector<1x1xf32>
    %mul3A_102 = arith.constant 8.000000e+00 : f32
    %mul3A_103 = vector.broadcast %mul3A_102 : f32 to vector<1x1xf32>
    %mul3A_104 = arith.mulf %mul3A_103, %broadcast_in_dim3A_101 : vector<1x1xf32>
    %swap3A_105 = arith.constant 0 : index
    %swap3A_106 = arith.constant 0 : index
    %swap3A_107 = vector.load %arg9[%swap3A_105, %swap3A_106] : memref<1x1xf32, #tpu.memory_space<vmem>>, vector<1x1xf32>
    tpu.vector_store %arg9[%swap3A_105, %swap3A_106], %mul3A_104 {strides = array<i32>} : memref<1x1xf32, #tpu.memory_space<vmem>>, vector<1x1xf32>,
    %convert_element_type3A_108 = arith.fptosi %broadcast_in_dim3A_85 : vector<1x8xf32> to vector<1x8xi32>
    %add3A_109 = arith.constant 255 : i32
    %add3A_110 = vector.broadcast %add3A_109 : i32 to vector<1x8xi32>
    %add3A_111 = arith.addi %convert_element_type3A_108, %add3A_110 : vector<1x8xi32>
    %jit3A_112 = arith.constant 256 : i32
    %div3A_113 = vector.broadcast %jit3A_112 : i32 to vector<1x8xi32>
    %div3A_114 = arith.divsi %add3A_111, %div3A_113 : vector<1x8xi32>
    %sign3A = arith.constant 0 : i32
    %sign3A_115 = vector.broadcast %sign3A : i32 to vector<1x8xi32>
    %sign3A_116 = arith.cmpi sgt, %add3A_111, %sign3A_115 : vector<1x8xi32>
    %sign3A_117 = arith.extui %sign3A_116 : vector<1x8xi1> to vector<1x8xi32>
    %sign3A_118 = arith.constant 0 : i32
    %sign3A_119 = vector.broadcast %sign3A_118 : i32 to vector<1x8xi32>
    %sign3A_120 = arith.cmpi slt, %add3A_111, %sign3A_119 : vector<1x8xi32>
    %sign3A_121 = arith.extui %sign3A_120 : vector<1x8xi1> to vector<1x8xi32>
    %sign3A_122 = arith.subi %sign3A_117, %sign3A_121 : vector<1x8xi32>
    %sign3A_123 = arith.constant 0 : i32
    %sign3A_124 = arith.cmpi sgt, %jit3A_112, %sign3A_123 : i32
    %sign3A_125 = arith.extui %sign3A_124 : i1 to i32
    %sign3A_126 = arith.constant 0 : i32
    %sign3A_127 = arith.cmpi slt, %jit3A_112, %sign3A_126 : i32
    %sign3A_128 = arith.extui %sign3A_127 : i1 to i32
    %sign3A_129 = arith.subi %sign3A_125, %sign3A_128 : i32
    %ne3A = vector.broadcast %sign3A_129 : i32 to vector<1x8xi32>
    %ne3A_130 = arith.cmpi ne, %sign3A_122, %ne3A : vector<1x8xi32>
    %rem3A = vector.broadcast %jit3A_112 : i32 to vector<1x8xi32>
    %rem3A_131 = arith.remsi %add3A_111, %rem3A : vector<1x8xi32>
    %ne3A_132 = arith.constant 0 : i32
    %ne3A_133 = vector.broadcast %ne3A_132 : i32 to vector<1x8xi32>
    %ne3A_134 = arith.cmpi ne, %rem3A_131, %ne3A_133 : vector<1x8xi32>
    %and3A_135 = arith.andi %ne3A_130, %ne3A_134 : vector<1x8xi1>
    %sub3A_136 = arith.constant 1 : i32
    %sub3A_137 = vector.broadcast %sub3A_136 : i32 to vector<1x8xi32>
    %sub3A_138 = arith.subi %div3A_114, %sub3A_137 : vector<1x8xi32>
    %select_n3A_139 = arith.select %and3A_135, %sub3A_138, %div3A_114 : vector<1x8xi1>, vector<1x8xi32>
    %mul3A_140 = arith.constant 256 : i32
    %mul3A_141 = vector.broadcast %mul3A_140 : i32 to vector<1x8xi32>
    %mul3A_142 = arith.muli %select_n3A_139, %mul3A_141 : vector<1x8xi32>
    %iota3A_143 = tpu.iota {dimensions = array<i32: 0>} : vector<8x8xi32>
    %iota3A_144 = tpu.iota {dimensions = array<i32: 1>} : vector<8x8xi32>
    %lt3A = arith.cmpi slt, %iota3A_143, %iota3A_144 : vector<8x8xi32>
    %convert_element_type3A_145 = arith.extui %lt3A : vector<8x8xi1> to vector<8x8xi32>
    %convert_element_type3A_146 = arith.sitofp %convert_element_type3A_145 : vector<8x8xi32> to vector<8x8xf32>
    %convert_element_type3A_147 = arith.sitofp %mul3A_142 : vector<1x8xi32> to vector<1x8xf32>
    %dot_general3A_148 = arith.constant dense<0.000000e+00> : vector<1x8xf32>
    %dot_general3A_149 = tpu.matmul %convert_element_type3A_147, %convert_element_type3A_146, %dot_general3A_148 {dimension_numbers = #tpu.dot_dimension_numbers<[1], [0], [0], [1], [0, 0, 1, 1], [], []>, transpose_lhs_hint = false} : vector<1x8xf32>, vector<8x8xf32>, vector<1x8xf32> -> vector<1x8xf32>
    %iota3A_150 = tpu.iota {dimensions = array<i32: 0>} : vector<256x256xi32>
    %iota3A_151 = tpu.iota {dimensions = array<i32: 1>} : vector<256x256xi32>
    %ge3A = arith.cmpi sge, %iota3A_150, %iota3A_151 : vector<256x256xi32>
    %convert_element_type3A_152 = arith.extui %ge3A : vector<256x256xi1> to vector<256x256xi32>
    %convert_element_type3A_153 = arith.sitofp %convert_element_type3A_152 : vector<256x256xi32> to vector<256x256xf32>
    %broadcast_in_dim3A_154 = arith.constant 0.000000e+00 : f32
    %broadcast_in_dim3A_155 = vector.broadcast %broadcast_in_dim3A_154 : f32 to vector<1x8xf32>
    %slice3A_156 = vector.extract_strided_slice %convert_element_type3A_82 {offsets = [0, 0], sizes = [256, 8], strides = [1, 1]} : vector<2048x8xf32> to vector<256x8xf32>
    %dot_general3A_157 = arith.constant dense<0.000000e+00> : vector<256x8xf32>
    %dot_general3A_158 = tpu.matmul %convert_element_type3A_153, %slice3A_156, %dot_general3A_157 {dimension_numbers = #tpu.dot_dimension_numbers<[1], [0], [0], [1], [0, 0, 1, 1], [], []>, transpose_lhs_hint = false} : vector<256x256xf32>, vector<256x8xf32>, vector<256x8xf32> -> vector<256x8xf32>
    %sub3A_159 = arith.subf %dot_general3A_158, %slice3A_156 : vector<256x8xf32>
    %add3A_160 = vector.broadcast %broadcast_in_dim3A_155 : vector<1x8xf32> to vector<256x8xf32>
    %add3A_161 = arith.addf %sub3A_159, %add3A_160 : vector<256x8xf32>
    %add3A_162 = vector.broadcast %dot_general3A_149 : vector<1x8xf32> to vector<256x8xf32>
    %add3A_163 = arith.addf %add3A_162, %add3A_161 : vector<256x8xf32>
    %mul3A_164 = arith.mulf %slice3A_156, %add3A_163 : vector<256x8xf32>
    %reduce_sum3A_165 = arith.constant dense<0.000000e+00> : vector<256xf32>
    %reduce_sum3A_166 = vector.multi_reduction <add>, %mul3A_164, %reduce_sum3A_165 [1] : vector<256x8xf32> to vector<256xf32>
    %broadcast_in_dim3A_167 = vector.shape_cast %reduce_sum3A_166 : vector<256xf32> to vector<256x1xf32>
    %convert_element_type3A_168 = arith.fptosi %broadcast_in_dim3A_167 : vector<256x1xf32> to vector<256x1xi32>
    %swap3A_169 = arith.constant 0 : index
    %swap3A_170 = arith.constant 0 : index
    %swap3A_171 = vector.load %arg6[%swap3A_169, %swap3A_170] : memref<2048x1xi32, #tpu.memory_space<vmem>>, vector<256x1xi32>
    tpu.vector_store %arg6[%swap3A_169, %swap3A_170], %convert_element_type3A_168 {strides = array<i32>} : memref<2048x1xi32, #tpu.memory_space<vmem>>, vector<256x1xi32>,
    %reduce_sum3A_172 = arith.constant dense<0.000000e+00> : vector<8xf32>
    %reduce_sum3A_173 = vector.multi_reduction <add>, %slice3A_156, %reduce_sum3A_172 [0] : vector<256x8xf32> to vector<8xf32>
    %broadcast_in_dim3A_174 = vector.shape_cast %reduce_sum3A_173 : vector<8xf32> to vector<1x8xf32>
    %add3A_175 = arith.addf %broadcast_in_dim3A_155, %broadcast_in_dim3A_174 : vector<1x8xf32>
    %slice3A_176 = vector.extract_strided_slice %convert_element_type3A_82 {offsets = [256, 0], sizes = [256, 8], strides = [1, 1]} : vector<2048x8xf32> to vector<256x8xf32>
    %dot_general3A_177 = arith.constant dense<0.000000e+00> : vector<256x8xf32>
    %dot_general3A_178 = tpu.matmul %convert_element_type3A_153, %slice3A_176, %dot_general3A_177 {dimension_numbers = #tpu.dot_dimension_numbers<[1], [0], [0], [1], [0, 0, 1, 1], [], []>, transpose_lhs_hint = false} : vector<256x256xf32>, vector<256x8xf32>, vector<256x8xf32> -> vector<256x8xf32>
    %sub3A_179 = arith.subf %dot_general3A_178, %slice3A_176 : vector<256x8xf32>
    %add3A_180 = vector.broadcast %add3A_175 : vector<1x8xf32> to vector<256x8xf32>
    %add3A_181 = arith.addf %sub3A_179, %add3A_180 : vector<256x8xf32>
    %add3A_182 = vector.broadcast %dot_general3A_149 : vector<1x8xf32> to vector<256x8xf32>
    %add3A_183 = arith.addf %add3A_182, %add3A_181 : vector<256x8xf32>
    %mul3A_184 = arith.mulf %slice3A_176, %add3A_183 : vector<256x8xf32>
    %reduce_sum3A_185 = arith.constant dense<0.000000e+00> : vector<256xf32>
    %reduce_sum3A_186 = vector.multi_reduction <add>, %mul3A_184, %reduce_sum3A_185 [1] : vector<256x8xf32> to vector<256xf32>
    %broadcast_in_dim3A_187 = vector.shape_cast %reduce_sum3A_186 : vector<256xf32> to vector<256x1xf32>
    %convert_element_type3A_188 = arith.fptosi %broadcast_in_dim3A_187 : vector<256x1xf32> to vector<256x1xi32>
    %swap3A_189 = arith.constant 256 : index
    %swap3A_190 = arith.constant 0 : index
    %swap3A_191 = vector.load %arg6[%swap3A_189, %swap3A_190] : memref<2048x1xi32, #tpu.memory_space<vmem>>, vector<256x1xi32>
    tpu.vector_store %arg6[%swap3A_189, %swap3A_190], %convert_element_type3A_188 {strides = array<i32>} : memref<2048x1xi32, #tpu.memory_space<vmem>>, vector<256x1xi32>,
    %reduce_sum3A_192 = arith.constant dense<0.000000e+00> : vector<8xf32>
    %reduce_sum3A_193 = vector.multi_reduction <add>, %slice3A_176, %reduce_sum3A_192 [0] : vector<256x8xf32> to vector<8xf32>
    %broadcast_in_dim3A_194 = vector.shape_cast %reduce_sum3A_193 : vector<8xf32> to vector<1x8xf32>
    %add3A_195 = arith.addf %add3A_175, %broadcast_in_dim3A_194 : vector<1x8xf32>
    %slice3A_196 = vector.extract_strided_slice %convert_element_type3A_82 {offsets = [512, 0], sizes = [256, 8], strides = [1, 1]} : vector<2048x8xf32> to vector<256x8xf32>
    %dot_general3A_197 = arith.constant dense<0.000000e+00> : vector<256x8xf32>
    %dot_general3A_198 = tpu.matmul %convert_element_type3A_153, %slice3A_196, %dot_general3A_197 {dimension_numbers = #tpu.dot_dimension_numbers<[1], [0], [0], [1], [0, 0, 1, 1], [], []>, transpose_lhs_hint = false} : vector<256x256xf32>, vector<256x8xf32>, vector<256x8xf32> -> vector<256x8xf32>
    %sub3A_199 = arith.subf %dot_general3A_198, %slice3A_196 : vector<256x8xf32>
    %add3A_200 = vector.broadcast %add3A_195 : vector<1x8xf32> to vector<256x8xf32>
    %add3A_201 = arith.addf %sub3A_199, %add3A_200 : vector<256x8xf32>
    %add3A_202 = vector.broadcast %dot_general3A_149 : vector<1x8xf32> to vector<256x8xf32>
    %add3A_203 = arith.addf %add3A_202, %add3A_201 : vector<256x8xf32>
    %mul3A_204 = arith.mulf %slice3A_196, %add3A_203 : vector<256x8xf32>
    %reduce_sum3A_205 = arith.constant dense<0.000000e+00> : vector<256xf32>
    %reduce_sum3A_206 = vector.multi_reduction <add>, %mul3A_204, %reduce_sum3A_205 [1] : vector<256x8xf32> to vector<256xf32>
    %broadcast_in_dim3A_207 = vector.shape_cast %reduce_sum3A_206 : vector<256xf32> to vector<256x1xf32>
    %convert_element_type3A_208 = arith.fptosi %broadcast_in_dim3A_207 : vector<256x1xf32> to vector<256x1xi32>
    %swap3A_209 = arith.constant 512 : index
    %swap3A_210 = arith.constant 0 : index
    %swap3A_211 = vector.load %arg6[%swap3A_209, %swap3A_210] : memref<2048x1xi32, #tpu.memory_space<vmem>>, vector<256x1xi32>
    tpu.vector_store %arg6[%swap3A_209, %swap3A_210], %convert_element_type3A_208 {strides = array<i32>} : memref<2048x1xi32, #tpu.memory_space<vmem>>, vector<256x1xi32>,
    %reduce_sum3A_212 = arith.constant dense<0.000000e+00> : vector<8xf32>
    %reduce_sum3A_213 = vector.multi_reduction <add>, %slice3A_196, %reduce_sum3A_212 [0] : vector<256x8xf32> to vector<8xf32>
    %broadcast_in_dim3A_214 = vector.shape_cast %reduce_sum3A_213 : vector<8xf32> to vector<1x8xf32>
    %add3A_215 = arith.addf %add3A_195, %broadcast_in_dim3A_214 : vector<1x8xf32>
    %slice3A_216 = vector.extract_strided_slice %convert_element_type3A_82 {offsets = [768, 0], sizes = [256, 8], strides = [1, 1]} : vector<2048x8xf32> to vector<256x8xf32>
    %dot_general3A_217 = arith.constant dense<0.000000e+00> : vector<256x8xf32>
    %dot_general3A_218 = tpu.matmul %convert_element_type3A_153, %slice3A_216, %dot_general3A_217 {dimension_numbers = #tpu.dot_dimension_numbers<[1], [0], [0], [1], [0, 0, 1, 1], [], []>, transpose_lhs_hint = false} : vector<256x256xf32>, vector<256x8xf32>, vector<256x8xf32> -> vector<256x8xf32>
    %sub3A_219 = arith.subf %dot_general3A_218, %slice3A_216 : vector<256x8xf32>
    %add3A_220 = vector.broadcast %add3A_215 : vector<1x8xf32> to vector<256x8xf32>
    %add3A_221 = arith.addf %sub3A_219, %add3A_220 : vector<256x8xf32>
    %add3A_222 = vector.broadcast %dot_general3A_149 : vector<1x8xf32> to vector<256x8xf32>
    %add3A_223 = arith.addf %add3A_222, %add3A_221 : vector<256x8xf32>
    %mul3A_224 = arith.mulf %slice3A_216, %add3A_223 : vector<256x8xf32>
    %reduce_sum3A_225 = arith.constant dense<0.000000e+00> : vector<256xf32>
    %reduce_sum3A_226 = vector.multi_reduction <add>, %mul3A_224, %reduce_sum3A_225 [1] : vector<256x8xf32> to vector<256xf32>
    %broadcast_in_dim3A_227 = vector.shape_cast %reduce_sum3A_226 : vector<256xf32> to vector<256x1xf32>
    %convert_element_type3A_228 = arith.fptosi %broadcast_in_dim3A_227 : vector<256x1xf32> to vector<256x1xi32>
    %swap3A_229 = arith.constant 768 : index
    %swap3A_230 = arith.constant 0 : index
    %swap3A_231 = vector.load %arg6[%swap3A_229, %swap3A_230] : memref<2048x1xi32, #tpu.memory_space<vmem>>, vector<256x1xi32>
    tpu.vector_store %arg6[%swap3A_229, %swap3A_230], %convert_element_type3A_228 {strides = array<i32>} : memref<2048x1xi32, #tpu.memory_space<vmem>>, vector<256x1xi32>,
    %reduce_sum3A_232 = arith.constant dense<0.000000e+00> : vector<8xf32>
    %reduce_sum3A_233 = vector.multi_reduction <add>, %slice3A_216, %reduce_sum3A_232 [0] : vector<256x8xf32> to vector<8xf32>
    %broadcast_in_dim3A_234 = vector.shape_cast %reduce_sum3A_233 : vector<8xf32> to vector<1x8xf32>
    %add3A_235 = arith.addf %add3A_215, %broadcast_in_dim3A_234 : vector<1x8xf32>
    %slice3A_236 = vector.extract_strided_slice %convert_element_type3A_82 {offsets = [1024, 0], sizes = [256, 8], strides = [1, 1]} : vector<2048x8xf32> to vector<256x8xf32>
    %dot_general3A_237 = arith.constant dense<0.000000e+00> : vector<256x8xf32>
    %dot_general3A_238 = tpu.matmul %convert_element_type3A_153, %slice3A_236, %dot_general3A_237 {dimension_numbers = #tpu.dot_dimension_numbers<[1], [0], [0], [1], [0, 0, 1, 1], [], []>, transpose_lhs_hint = false} : vector<256x256xf32>, vector<256x8xf32>, vector<256x8xf32> -> vector<256x8xf32>
    %sub3A_239 = arith.subf %dot_general3A_238, %slice3A_236 : vector<256x8xf32>
    %add3A_240 = vector.broadcast %add3A_235 : vector<1x8xf32> to vector<256x8xf32>
    %add3A_241 = arith.addf %sub3A_239, %add3A_240 : vector<256x8xf32>
    %add3A_242 = vector.broadcast %dot_general3A_149 : vector<1x8xf32> to vector<256x8xf32>
    %add3A_243 = arith.addf %add3A_242, %add3A_241 : vector<256x8xf32>
    %mul3A_244 = arith.mulf %slice3A_236, %add3A_243 : vector<256x8xf32>
    %reduce_sum3A_245 = arith.constant dense<0.000000e+00> : vector<256xf32>
    %reduce_sum3A_246 = vector.multi_reduction <add>, %mul3A_244, %reduce_sum3A_245 [1] : vector<256x8xf32> to vector<256xf32>
    %broadcast_in_dim3A_247 = vector.shape_cast %reduce_sum3A_246 : vector<256xf32> to vector<256x1xf32>
    %convert_element_type3A_248 = arith.fptosi %broadcast_in_dim3A_247 : vector<256x1xf32> to vector<256x1xi32>
    %swap3A_249 = arith.constant 1024 : index
    %swap3A_250 = arith.constant 0 : index
    %swap3A_251 = vector.load %arg6[%swap3A_249, %swap3A_250] : memref<2048x1xi32, #tpu.memory_space<vmem>>, vector<256x1xi32>
    tpu.vector_store %arg6[%swap3A_249, %swap3A_250], %convert_element_type3A_248 {strides = array<i32>} : memref<2048x1xi32, #tpu.memory_space<vmem>>, vector<256x1xi32>,
    %reduce_sum3A_252 = arith.constant dense<0.000000e+00> : vector<8xf32>
    %reduce_sum3A_253 = vector.multi_reduction <add>, %slice3A_236, %reduce_sum3A_252 [0] : vector<256x8xf32> to vector<8xf32>
    %broadcast_in_dim3A_254 = vector.shape_cast %reduce_sum3A_253 : vector<8xf32> to vector<1x8xf32>
    %add3A_255 = arith.addf %add3A_235, %broadcast_in_dim3A_254 : vector<1x8xf32>
    %slice3A_256 = vector.extract_strided_slice %convert_element_type3A_82 {offsets = [1280, 0], sizes = [256, 8], strides = [1, 1]} : vector<2048x8xf32> to vector<256x8xf32>
    %dot_general3A_257 = arith.constant dense<0.000000e+00> : vector<256x8xf32>
    %dot_general3A_258 = tpu.matmul %convert_element_type3A_153, %slice3A_256, %dot_general3A_257 {dimension_numbers = #tpu.dot_dimension_numbers<[1], [0], [0], [1], [0, 0, 1, 1], [], []>, transpose_lhs_hint = false} : vector<256x256xf32>, vector<256x8xf32>, vector<256x8xf32> -> vector<256x8xf32>
    %sub3A_259 = arith.subf %dot_general3A_258, %slice3A_256 : vector<256x8xf32>
    %add3A_260 = vector.broadcast %add3A_255 : vector<1x8xf32> to vector<256x8xf32>
    %add3A_261 = arith.addf %sub3A_259, %add3A_260 : vector<256x8xf32>
    %add3A_262 = vector.broadcast %dot_general3A_149 : vector<1x8xf32> to vector<256x8xf32>
    %add3A_263 = arith.addf %add3A_262, %add3A_261 : vector<256x8xf32>
    %mul3A_264 = arith.mulf %slice3A_256, %add3A_263 : vector<256x8xf32>
    %reduce_sum3A_265 = arith.constant dense<0.000000e+00> : vector<256xf32>
    %reduce_sum3A_266 = vector.multi_reduction <add>, %mul3A_264, %reduce_sum3A_265 [1] : vector<256x8xf32> to vector<256xf32>
    %broadcast_in_dim3A_267 = vector.shape_cast %reduce_sum3A_266 : vector<256xf32> to vector<256x1xf32>
    %convert_element_type3A_268 = arith.fptosi %broadcast_in_dim3A_267 : vector<256x1xf32> to vector<256x1xi32>
    %swap3A_269 = arith.constant 1280 : index
    %swap3A_270 = arith.constant 0 : index
    %swap3A_271 = vector.load %arg6[%swap3A_269, %swap3A_270] : memref<2048x1xi32, #tpu.memory_space<vmem>>, vector<256x1xi32>
    tpu.vector_store %arg6[%swap3A_269, %swap3A_270], %convert_element_type3A_268 {strides = array<i32>} : memref<2048x1xi32, #tpu.memory_space<vmem>>, vector<256x1xi32>,
    %reduce_sum3A_272 = arith.constant dense<0.000000e+00> : vector<8xf32>
    %reduce_sum3A_273 = vector.multi_reduction <add>, %slice3A_256, %reduce_sum3A_272 [0] : vector<256x8xf32> to vector<8xf32>
    %broadcast_in_dim3A_274 = vector.shape_cast %reduce_sum3A_273 : vector<8xf32> to vector<1x8xf32>
    %add3A_275 = arith.addf %add3A_255, %broadcast_in_dim3A_274 : vector<1x8xf32>
    %slice3A_276 = vector.extract_strided_slice %convert_element_type3A_82 {offsets = [1536, 0], sizes = [256, 8], strides = [1, 1]} : vector<2048x8xf32> to vector<256x8xf32>
    %dot_general3A_277 = arith.constant dense<0.000000e+00> : vector<256x8xf32>
    %dot_general3A_278 = tpu.matmul %convert_element_type3A_153, %slice3A_276, %dot_general3A_277 {dimension_numbers = #tpu.dot_dimension_numbers<[1], [0], [0], [1], [0, 0, 1, 1], [], []>, transpose_lhs_hint = false} : vector<256x256xf32>, vector<256x8xf32>, vector<256x8xf32> -> vector<256x8xf32>
    %sub3A_279 = arith.subf %dot_general3A_278, %slice3A_276 : vector<256x8xf32>
    %add3A_280 = vector.broadcast %add3A_275 : vector<1x8xf32> to vector<256x8xf32>
    %add3A_281 = arith.addf %sub3A_279, %add3A_280 : vector<256x8xf32>
    %add3A_282 = vector.broadcast %dot_general3A_149 : vector<1x8xf32> to vector<256x8xf32>
    %add3A_283 = arith.addf %add3A_282, %add3A_281 : vector<256x8xf32>
    %mul3A_284 = arith.mulf %slice3A_276, %add3A_283 : vector<256x8xf32>
    %reduce_sum3A_285 = arith.constant dense<0.000000e+00> : vector<256xf32>
    %reduce_sum3A_286 = vector.multi_reduction <add>, %mul3A_284, %reduce_sum3A_285 [1] : vector<256x8xf32> to vector<256xf32>
    %broadcast_in_dim3A_287 = vector.shape_cast %reduce_sum3A_286 : vector<256xf32> to vector<256x1xf32>
    %convert_element_type3A_288 = arith.fptosi %broadcast_in_dim3A_287 : vector<256x1xf32> to vector<256x1xi32>
    %swap3A_289 = arith.constant 1536 : index
    %swap3A_290 = arith.constant 0 : index
    %swap3A_291 = vector.load %arg6[%swap3A_289, %swap3A_290] : memref<2048x1xi32, #tpu.memory_space<vmem>>, vector<256x1xi32>
    tpu.vector_store %arg6[%swap3A_289, %swap3A_290], %convert_element_type3A_288 {strides = array<i32>} : memref<2048x1xi32, #tpu.memory_space<vmem>>, vector<256x1xi32>,
    %reduce_sum3A_292 = arith.constant dense<0.000000e+00> : vector<8xf32>
    %reduce_sum3A_293 = vector.multi_reduction <add>, %slice3A_276, %reduce_sum3A_292 [0] : vector<256x8xf32> to vector<8xf32>
    %broadcast_in_dim3A_294 = vector.shape_cast %reduce_sum3A_293 : vector<8xf32> to vector<1x8xf32>
    %add3A_295 = arith.addf %add3A_275, %broadcast_in_dim3A_294 : vector<1x8xf32>
    %slice3A_296 = vector.extract_strided_slice %convert_element_type3A_82 {offsets = [1792, 0], sizes = [256, 8], strides = [1, 1]} : vector<2048x8xf32> to vector<256x8xf32>
    %dot_general3A_297 = arith.constant dense<0.000000e+00> : vector<256x8xf32>
    %dot_general3A_298 = tpu.matmul %convert_element_type3A_153, %slice3A_296, %dot_general3A_297 {dimension_numbers = #tpu.dot_dimension_numbers<[1], [0], [0], [1], [0, 0, 1, 1], [], []>, transpose_lhs_hint = false} : vector<256x256xf32>, vector<256x8xf32>, vector<256x8xf32> -> vector<256x8xf32>
    %sub3A_299 = arith.subf %dot_general3A_298, %slice3A_296 : vector<256x8xf32>
    %add3A_300 = vector.broadcast %add3A_295 : vector<1x8xf32> to vector<256x8xf32>
    %add3A_301 = arith.addf %sub3A_299, %add3A_300 : vector<256x8xf32>
    %add3A_302 = vector.broadcast %dot_general3A_149 : vector<1x8xf32> to vector<256x8xf32>
    %add3A_303 = arith.addf %add3A_302, %add3A_301 : vector<256x8xf32>
    %mul3A_304 = arith.mulf %slice3A_296, %add3A_303 : vector<256x8xf32>
    %reduce_sum3A_305 = arith.constant dense<0.000000e+00> : vector<256xf32>
    %reduce_sum3A_306 = vector.multi_reduction <add>, %mul3A_304, %reduce_sum3A_305 [1] : vector<256x8xf32> to vector<256xf32>
    %broadcast_in_dim3A_307 = vector.shape_cast %reduce_sum3A_306 : vector<256xf32> to vector<256x1xf32>
    %convert_element_type3A_308 = arith.fptosi %broadcast_in_dim3A_307 : vector<256x1xf32> to vector<256x1xi32>
    %swap3A_309 = arith.constant 1792 : index
    %swap3A_310 = arith.constant 0 : index
    %swap3A_311 = vector.load %arg6[%swap3A_309, %swap3A_310] : memref<2048x1xi32, #tpu.memory_space<vmem>>, vector<256x1xi32>
    tpu.vector_store %arg6[%swap3A_309, %swap3A_310], %convert_element_type3A_308 {strides = array<i32>} : memref<2048x1xi32, #tpu.memory_space<vmem>>, vector<256x1xi32>,
    %convert_element_type3A_312 = arith.fptosi %dot_general3A_149 : vector<1x8xf32> to vector<1x8xi32>
    %jit3A_313 = arith.constant 256 : i32
    %div3A_314 = vector.broadcast %jit3A_313 : i32 to vector<1x8xi32>
    %div3A_315 = arith.divsi %convert_element_type3A_312, %div3A_314 : vector<1x8xi32>
    %sign3A_316 = arith.constant 0 : i32
    %sign3A_317 = vector.broadcast %sign3A_316 : i32 to vector<1x8xi32>
    %sign3A_318 = arith.cmpi sgt, %convert_element_type3A_312, %sign3A_317 : vector<1x8xi32>
    %sign3A_319 = arith.extui %sign3A_318 : vector<1x8xi1> to vector<1x8xi32>
    %sign3A_320 = arith.constant 0 : i32
    %sign3A_321 = vector.broadcast %sign3A_320 : i32 to vector<1x8xi32>
    %sign3A_322 = arith.cmpi slt, %convert_element_type3A_312, %sign3A_321 : vector<1x8xi32>
    %sign3A_323 = arith.extui %sign3A_322 : vector<1x8xi1> to vector<1x8xi32>
    %sign3A_324 = arith.subi %sign3A_319, %sign3A_323 : vector<1x8xi32>
    %sign3A_325 = arith.constant 0 : i32
    %sign3A_326 = arith.cmpi sgt, %jit3A_313, %sign3A_325 : i32
    %sign3A_327 = arith.extui %sign3A_326 : i1 to i32
    %sign3A_328 = arith.constant 0 : i32
    %sign3A_329 = arith.cmpi slt, %jit3A_313, %sign3A_328 : i32
    %sign3A_330 = arith.extui %sign3A_329 : i1 to i32
    %sign3A_331 = arith.subi %sign3A_327, %sign3A_330 : i32
    %ne3A_332 = vector.broadcast %sign3A_331 : i32 to vector<1x8xi32>
    %ne3A_333 = arith.cmpi ne, %sign3A_324, %ne3A_332 : vector<1x8xi32>
    %rem3A_334 = vector.broadcast %jit3A_313 : i32 to vector<1x8xi32>
    %rem3A_335 = arith.remsi %convert_element_type3A_312, %rem3A_334 : vector<1x8xi32>
    %ne3A_336 = arith.constant 0 : i32
    %ne3A_337 = vector.broadcast %ne3A_336 : i32 to vector<1x8xi32>
    %ne3A_338 = arith.cmpi ne, %rem3A_335, %ne3A_337 : vector<1x8xi32>
    %and3A_339 = arith.andi %ne3A_333, %ne3A_338 : vector<1x8xi1>
    %sub3A_340 = arith.constant 1 : i32
    %sub3A_341 = vector.broadcast %sub3A_340 : i32 to vector<1x8xi32>
    %sub3A_342 = arith.subi %div3A_315, %sub3A_341 : vector<1x8xi32>
    %select_n3A_343 = arith.select %and3A_339, %sub3A_342, %div3A_315 : vector<1x8xi1>, vector<1x8xi32>
    %add3A_344 = arith.addi %convert_element_type3A_312, %mul3A_142 : vector<1x8xi32>
    %jit3A_345 = arith.constant 256 : i32
    %div3A_346 = vector.broadcast %jit3A_345 : i32 to vector<1x8xi32>
    %div3A_347 = arith.divsi %add3A_344, %div3A_346 : vector<1x8xi32>
    %sign3A_348 = arith.constant 0 : i32
    %sign3A_349 = vector.broadcast %sign3A_348 : i32 to vector<1x8xi32>
    %sign3A_350 = arith.cmpi sgt, %add3A_344, %sign3A_349 : vector<1x8xi32>
    %sign3A_351 = arith.extui %sign3A_350 : vector<1x8xi1> to vector<1x8xi32>
    %sign3A_352 = arith.constant 0 : i32
    %sign3A_353 = vector.broadcast %sign3A_352 : i32 to vector<1x8xi32>
    %sign3A_354 = arith.cmpi slt, %add3A_344, %sign3A_353 : vector<1x8xi32>
    %sign3A_355 = arith.extui %sign3A_354 : vector<1x8xi1> to vector<1x8xi32>
    %sign3A_356 = arith.subi %sign3A_351, %sign3A_355 : vector<1x8xi32>
    %sign3A_357 = arith.constant 0 : i32
    %sign3A_358 = arith.cmpi sgt, %jit3A_345, %sign3A_357 : i32
    %sign3A_359 = arith.extui %sign3A_358 : i1 to i32
    %sign3A_360 = arith.constant 0 : i32
    %sign3A_361 = arith.cmpi slt, %jit3A_345, %sign3A_360 : i32
    %sign3A_362 = arith.extui %sign3A_361 : i1 to i32
    %sign3A_363 = arith.subi %sign3A_359, %sign3A_362 : i32
    %ne3A_364 = vector.broadcast %sign3A_363 : i32 to vector<1x8xi32>
    %ne3A_365 = arith.cmpi ne, %sign3A_356, %ne3A_364 : vector<1x8xi32>
    %rem3A_366 = vector.broadcast %jit3A_345 : i32 to vector<1x8xi32>
    %rem3A_367 = arith.remsi %add3A_344, %rem3A_366 : vector<1x8xi32>
    %ne3A_368 = arith.constant 0 : i32
    %ne3A_369 = vector.broadcast %ne3A_368 : i32 to vector<1x8xi32>
    %ne3A_370 = arith.cmpi ne, %rem3A_367, %ne3A_369 : vector<1x8xi32>
    %and3A_371 = arith.andi %ne3A_365, %ne3A_370 : vector<1x8xi1>
    %sub3A_372 = arith.constant 1 : i32
    %sub3A_373 = vector.broadcast %sub3A_372 : i32 to vector<1x8xi32>
    %sub3A_374 = arith.subi %div3A_347, %sub3A_373 : vector<1x8xi32>
    %select_n3A_375 = arith.select %and3A_371, %sub3A_374, %div3A_347 : vector<1x8xi1>, vector<1x8xi32>
    %iota3A_376 = tpu.iota {dimensions = array<i32: 0>} : vector<15x8xi32>
    %iota3A_377 = tpu.iota {dimensions = array<i32: 1>} : vector<15x8xi32>
    %ge3A_378 = vector.broadcast %select_n3A_343 : vector<1x8xi32> to vector<15x8xi32>
    %ge3A_379 = arith.cmpi sge, %iota3A_376, %ge3A_378 : vector<15x8xi32>
    %lt3A_380 = vector.broadcast %select_n3A_375 : vector<1x8xi32> to vector<15x8xi32>
    %lt3A_381 = arith.cmpi slt, %iota3A_376, %lt3A_380 : vector<15x8xi32>
    %and3A_382 = arith.andi %ge3A_379, %lt3A_381 : vector<15x8xi1>
    %jit3A_383 = arith.constant 0 : i32
    %broadcast_in_dim3A_384 = vector.broadcast %jit3A_383 : i32 to vector<15x8xi32>
    %select_n3A_385 = arith.select %and3A_382, %iota3A_377, %broadcast_in_dim3A_384 : vector<15x8xi1>, vector<15x8xi32>
    %reduce_sum3A_386 = arith.constant dense<0> : vector<15xi32>
    %reduce_sum3A_387 = vector.multi_reduction <add>, %select_n3A_385, %reduce_sum3A_386 [1] : vector<15x8xi32> to vector<15xi32>
    %broadcast_in_dim3A_388 = vector.shape_cast %reduce_sum3A_387 : vector<15xi32> to vector<15x1xi32>
    %reduce_sum3A_389 = vector.shape_cast %mul3A_142 : vector<1x8xi32> to vector<1x1x8xi32>
    %reduce_sum3A_390 = arith.constant dense<0> : vector<1xi32>
    %reduce_sum3A_391 = vector.multi_reduction <add>, %reduce_sum3A_389, %reduce_sum3A_390 [1, 2] : vector<1x1x8xi32> to vector<1xi32>
    %reduce_sum3A_392 = vector.shape_cast %reduce_sum3A_391 : vector<1xi32> to vector<1x1x1xi32>
    %reduce_sum3A_393 = vector.extract %reduce_sum3A_392[0, 0, 0] : i32 from vector<1x1x1xi32>
    %jit3A_394 = arith.constant 256 : i32
    %div3A_395 = arith.divsi %reduce_sum3A_393, %jit3A_394 : i32
    %sign3A_396 = arith.constant 0 : i32
    %sign3A_397 = arith.cmpi sgt, %reduce_sum3A_393, %sign3A_396 : i32
    %sign3A_398 = arith.extui %sign3A_397 : i1 to i32
    %sign3A_399 = arith.constant 0 : i32
    %sign3A_400 = arith.cmpi slt, %reduce_sum3A_393, %sign3A_399 : i32
    %sign3A_401 = arith.extui %sign3A_400 : i1 to i32
    %sign3A_402 = arith.subi %sign3A_398, %sign3A_401 : i32
    %sign3A_403 = arith.constant 0 : i32
    %sign3A_404 = arith.cmpi sgt, %jit3A_394, %sign3A_403 : i32
    %sign3A_405 = arith.extui %sign3A_404 : i1 to i32
    %sign3A_406 = arith.constant 0 : i32
    %sign3A_407 = arith.cmpi slt, %jit3A_394, %sign3A_406 : i32
    %sign3A_408 = arith.extui %sign3A_407 : i1 to i32
    %sign3A_409 = arith.subi %sign3A_405, %sign3A_408 : i32
    %ne3A_410 = arith.cmpi ne, %sign3A_402, %sign3A_409 : i32
    %rem3A_411 = arith.remsi %reduce_sum3A_393, %jit3A_394 : i32
    %ne3A_412 = arith.constant 0 : i32
    %ne3A_413 = arith.cmpi ne, %rem3A_411, %ne3A_412 : i32
    %and3A_414 = arith.andi %ne3A_410, %ne3A_413 : i1
    %sub3A_415 = arith.constant 1 : i32
    %sub3A_416 = arith.subi %div3A_395, %sub3A_415 : i32
    %select_n3A_417 = arith.select %and3A_414, %sub3A_416, %div3A_395 : i32
    %gt3A = arith.constant 0 : i32
    %gt3A_418 = vector.broadcast %gt3A : i32 to vector<1x8xi32>
    %gt3A_419 = arith.cmpi sgt, %convert_element_type3A_108, %gt3A_418 : vector<1x8xi32>
    %iota3A_420 = tpu.iota {dimensions = array<i32: 1>} : vector<1x8xi32>
    %jit3A_421 = arith.constant 0 : i32
    %broadcast_in_dim3A_422 = vector.broadcast %jit3A_421 : i32 to vector<1x8xi32>
    %select_n3A_423 = arith.select %gt3A_419, %iota3A_420, %broadcast_in_dim3A_422 : vector<1x8xi1>, vector<1x8xi32>
    %reduce_max3A_424 = vector.shape_cast %select_n3A_423 : vector<1x8xi32> to vector<1x1x8xi32>
    %reduce_max3A_425 = arith.constant dense<-2147483648> : vector<1xi32>
    %reduce_max3A_426 = vector.multi_reduction <maxsi>, %reduce_max3A_424, %reduce_max3A_425 [1, 2] : vector<1x1x8xi32> to vector<1xi32>
    %reduce_max3A_427 = vector.shape_cast %reduce_max3A_426 : vector<1xi32> to vector<1x1x1xi32>
    %reduce_max3A_428 = vector.extract %reduce_max3A_427[0, 0, 0] : i32 from vector<1x1x1xi32>
    %iota3A_429 = tpu.iota {dimensions = array<i32: 0>} : vector<15x1xi32>
    %lt3A_430 = vector.broadcast %select_n3A_417 : i32 to vector<15x1xi32>
    %lt3A_431 = arith.cmpi slt, %iota3A_429, %lt3A_430 : vector<15x1xi32>
    %broadcast_in_dim3A_432 = vector.broadcast %reduce_max3A_428 : i32 to vector<15x1xi32>
    %select_n3A_433 = arith.select %lt3A_431, %broadcast_in_dim3A_388, %broadcast_in_dim3A_432 : vector<15x1xi1>, vector<15x1xi32>
    %swap3A_434 = arith.constant 0 : index
    %swap3A_435 = arith.constant 0 : index
    %swap3A_436 = vector.load %arg7[%swap3A_434, %swap3A_435] : memref<15x1xi32, #tpu.memory_space<vmem>>, vector<15x1xi32>
    tpu.vector_store %arg7[%swap3A_434, %swap3A_435], %select_n3A_433 {strides = array<i32>} : memref<15x1xi32, #tpu.memory_space<vmem>>, vector<15x1xi32>,
    %convert_element_type3A_437 = arith.extui %lt3A_431 : vector<15x1xi1> to vector<15x1xi32>
    %swap3A_438 = arith.constant 0 : index
    %swap3A_439 = arith.constant 0 : index
    %swap3A_440 = vector.load %arg8[%swap3A_438, %swap3A_439] : memref<15x1xi32, #tpu.memory_space<vmem>>, vector<15x1xi32>
    tpu.vector_store %arg8[%swap3A_438, %swap3A_439], %convert_element_type3A_437 {strides = array<i32>} : memref<15x1xi32, #tpu.memory_space<vmem>>, vector<15x1xi32>,
    return
  }
}

module attributes {stable_mosaic.version = 14 : i64} {
  func.func @_ffn_body(%arg0: i32, %arg1: memref<15xi32, #tpu.memory_space<smem>>, %arg2: memref<15xi32, #tpu.memory_space<smem>>, %arg3: memref<256x384xi32, #tpu.memory_space<vmem>>, %arg4: memref<1x768x2048xf32, #tpu.memory_space<vmem>>, %arg5: memref<1x1x2048xf32, #tpu.memory_space<vmem>>, %arg6: memref<1x2048x768xf32, #tpu.memory_space<vmem>>, %arg7: memref<1x1x768xf32, #tpu.memory_space<vmem>>, %arg8: memref<256x768xf32, #tpu.memory_space<vmem>>) attributes {dimension_semantics = [#tpu.dimension_semantics<arbitrary>], iteration_bounds = array<i64: 15>, scalar_prefetch = 2 : i64, scratch_operands = 0 : i64, tpu.core_type = #tpu.core_type<tc>, window_params = [{transform_indices = @transform_0, window_bounds = array<i64: 256, 384>}, {transform_indices = @transform_1, window_bounds = array<i64: 1, 768, 2048>}, {transform_indices = @transform_2, window_bounds = array<i64: 1, 1, 2048>}, {transform_indices = @transform_3, window_bounds = array<i64: 1, 2048, 768>}, {transform_indices = @transform_4, window_bounds = array<i64: 1, 1, 768>}, {transform_indices = @transform_5, window_bounds = array<i64: 256, 768>}]} {
    %get3A = arith.index_cast %arg0 : i32 to index
    %get3A_0 = memref.load %arg2[%get3A] : memref<15xi32, #tpu.memory_space<smem>>
    %eq3A = arith.constant 1 : i32
    %eq3A_1 = arith.cmpi eq, %get3A_0, %eq3A : i32
    %convert_element_type3A = arith.extui %eq3A_1 : i1 to i32
    %cond3A = arith.constant 0 : i32
    %cond3A_2 = arith.cmpi ne, %convert_element_type3A, %cond3A : i32
    scf.if %cond3A_2 {
      %get3A_3 = arith.constant 0 : index
      %get3A_4 = arith.constant 0 : index
      %get3A_5 = vector.load %arg3[%get3A_3, %get3A_4] : memref<256x384xi32, #tpu.memory_space<vmem>>, vector<256x384xi32>
      %shift_left3A = arith.constant 16 : i32
      %shift_left3A_6 = vector.broadcast %shift_left3A : i32 to vector<256x384xi32>
      %shift_left3A_7 = arith.shli %get3A_5, %shift_left3A_6 : vector<256x384xi32>
      %bitcast_convert_type3A = tpu.bitcast %shift_left3A_7 : vector<256x384xi32> -> vector<256x384xf32>
      %and3A = arith.constant -65536 : i32
      %and3A_8 = vector.broadcast %and3A : i32 to vector<256x384xi32>
      %and3A_9 = arith.andi %get3A_5, %and3A_8 : vector<256x384xi32>
      %bitcast_convert_type3A_10 = tpu.bitcast %and3A_9 : vector<256x384xi32> -> vector<256x384xf32>
      %concatenate3A = tpu.concatenate %bitcast_convert_type3A, %bitcast_convert_type3A_10 in 1 : vector<256x384xf32>, vector<256x384xf32> -> vector<256x768xf32>
      %get3A_11 = arith.constant 0 : index
      %get3A_12 = arith.constant 0 : index
      %get3A_13 = arith.constant 0 : index
      %get3A_14 = vector.load %arg4[%get3A_11, %get3A_12, %get3A_13] : memref<1x768x2048xf32, #tpu.memory_space<vmem>>, vector<1x768x2048xf32>
      %get3A_15 = vector.shape_cast %get3A_14 : vector<1x768x2048xf32> to vector<768x2048xf32>
      %dot_general3A = arith.constant dense<0.000000e+00> : vector<256x2048xf32>
      %dot_general3A_16 = tpu.matmul %concatenate3A, %get3A_15, %dot_general3A {dimension_numbers = #tpu.dot_dimension_numbers<[1], [0], [0], [1], [0, 0, 1, 1], [], []>, transpose_lhs_hint = false} : vector<256x768xf32>, vector<768x2048xf32>, vector<256x2048xf32> -> vector<256x2048xf32>
      %get3A_17 = arith.constant 0 : index
      %get3A_18 = arith.constant 0 : index
      %get3A_19 = arith.constant 0 : index
      %get3A_20 = vector.load %arg5[%get3A_17, %get3A_18, %get3A_19] : memref<1x1x2048xf32, #tpu.memory_space<vmem>>, vector<1x1x2048xf32>
      %get3A_21 = vector.shape_cast %get3A_20 : vector<1x1x2048xf32> to vector<1x2048xf32>
      %add3A = vector.broadcast %get3A_21 : vector<1x2048xf32> to vector<256x2048xf32>
      %add3A_22 = arith.addf %dot_general3A_16, %add3A : vector<256x2048xf32>
      %mul3A = arith.constant 5.000000e-01 : f32
      %mul3A_23 = vector.broadcast %mul3A : f32 to vector<256x2048xf32>
      %mul3A_24 = arith.mulf %mul3A_23, %add3A_22 : vector<256x2048xf32>
      %mul3A_25 = arith.constant 0.707106769 : f32
      %mul3A_26 = vector.broadcast %mul3A_25 : f32 to vector<256x2048xf32>
      %mul3A_27 = arith.mulf %add3A_22, %mul3A_26 : vector<256x2048xf32>
      %erf3A = math.erf %mul3A_27 : vector<256x2048xf32>
      %add3A_28 = arith.constant 1.000000e+00 : f32
      %add3A_29 = vector.broadcast %add3A_28 : f32 to vector<256x2048xf32>
      %add3A_30 = arith.addf %add3A_29, %erf3A : vector<256x2048xf32>
      %mul3A_31 = arith.mulf %mul3A_24, %add3A_30 : vector<256x2048xf32>
      %get3A_32 = arith.constant 0 : index
      %get3A_33 = arith.constant 0 : index
      %get3A_34 = arith.constant 0 : index
      %get3A_35 = vector.load %arg6[%get3A_32, %get3A_33, %get3A_34] : memref<1x2048x768xf32, #tpu.memory_space<vmem>>, vector<1x2048x768xf32>
      %get3A_36 = vector.shape_cast %get3A_35 : vector<1x2048x768xf32> to vector<2048x768xf32>
      %dot_general3A_37 = arith.constant dense<0.000000e+00> : vector<256x768xf32>
      %dot_general3A_38 = tpu.matmul %mul3A_31, %get3A_36, %dot_general3A_37 {dimension_numbers = #tpu.dot_dimension_numbers<[1], [0], [0], [1], [0, 0, 1, 1], [], []>, transpose_lhs_hint = false} : vector<256x2048xf32>, vector<2048x768xf32>, vector<256x768xf32> -> vector<256x768xf32>
      %get3A_39 = arith.constant 0 : index
      %get3A_40 = arith.constant 0 : index
      %get3A_41 = arith.constant 0 : index
      %get3A_42 = vector.load %arg7[%get3A_39, %get3A_40, %get3A_41] : memref<1x1x768xf32, #tpu.memory_space<vmem>>, vector<1x1x768xf32>
      %get3A_43 = vector.shape_cast %get3A_42 : vector<1x1x768xf32> to vector<1x768xf32>
      %add3A_44 = vector.broadcast %get3A_43 : vector<1x768xf32> to vector<256x768xf32>
      %add3A_45 = arith.addf %dot_general3A_38, %add3A_44 : vector<256x768xf32>
      %swap3A = arith.constant 0 : index
      %swap3A_46 = arith.constant 0 : index
      %swap3A_47 = vector.load %arg8[%swap3A, %swap3A_46] : memref<256x768xf32, #tpu.memory_space<vmem>>, vector<256x768xf32>
      tpu.vector_store %arg8[%swap3A, %swap3A_46], %add3A_45 {strides = array<i32>} : memref<256x768xf32, #tpu.memory_space<vmem>>, vector<256x768xf32>,
    } else {
    }
    return
  }
  func.func @transform_0(%arg0: i32, %arg1: memref<15xi32, #tpu.memory_space<smem>>, %arg2: memref<15xi32, #tpu.memory_space<smem>>) -> (i32, i32) {
    %c0_i32 = arith.constant 0 : i32
    %c0_i32_0 = arith.constant 0 : i32
    return %arg0, %c0_i32 : i32, i32
  }
  func.func @transform_1(%arg0: i32, %arg1: memref<15xi32, #tpu.memory_space<smem>>, %arg2: memref<15xi32, #tpu.memory_space<smem>>) -> (i32, i32, i32) {
    %get3A = arith.index_cast %arg0 : i32 to index
    %get3A_0 = memref.load %arg1[%get3A] : memref<15xi32, #tpu.memory_space<smem>>
    %c0_i32 = arith.constant 0 : i32
    %c0_i32_1 = arith.constant 0 : i32
    %c0_i32_2 = arith.constant 0 : i32
    return %get3A_0, %c0_i32, %c0_i32_1 : i32, i32, i32
  }
  func.func @transform_2(%arg0: i32, %arg1: memref<15xi32, #tpu.memory_space<smem>>, %arg2: memref<15xi32, #tpu.memory_space<smem>>) -> (i32, i32, i32) {
    %get3A = arith.index_cast %arg0 : i32 to index
    %get3A_0 = memref.load %arg1[%get3A] : memref<15xi32, #tpu.memory_space<smem>>
    %c0_i32 = arith.constant 0 : i32
    %c0_i32_1 = arith.constant 0 : i32
    %c0_i32_2 = arith.constant 0 : i32
    return %get3A_0, %c0_i32, %c0_i32_1 : i32, i32, i32
  }
  func.func @transform_3(%arg0: i32, %arg1: memref<15xi32, #tpu.memory_space<smem>>, %arg2: memref<15xi32, #tpu.memory_space<smem>>) -> (i32, i32, i32) {
    %get3A = arith.index_cast %arg0 : i32 to index
    %get3A_0 = memref.load %arg1[%get3A] : memref<15xi32, #tpu.memory_space<smem>>
    %c0_i32 = arith.constant 0 : i32
    %c0_i32_1 = arith.constant 0 : i32
    %c0_i32_2 = arith.constant 0 : i32
    return %get3A_0, %c0_i32, %c0_i32_1 : i32, i32, i32
  }
  func.func @transform_4(%arg0: i32, %arg1: memref<15xi32, #tpu.memory_space<smem>>, %arg2: memref<15xi32, #tpu.memory_space<smem>>) -> (i32, i32, i32) {
    %get3A = arith.index_cast %arg0 : i32 to index
    %get3A_0 = memref.load %arg1[%get3A] : memref<15xi32, #tpu.memory_space<smem>>
    %c0_i32 = arith.constant 0 : i32
    %c0_i32_1 = arith.constant 0 : i32
    %c0_i32_2 = arith.constant 0 : i32
    return %get3A_0, %c0_i32, %c0_i32_1 : i32, i32, i32
  }
  func.func @transform_5(%arg0: i32, %arg1: memref<15xi32, #tpu.memory_space<smem>>, %arg2: memref<15xi32, #tpu.memory_space<smem>>) -> (i32, i32) {
    %c0_i32 = arith.constant 0 : i32
    %c0_i32_0 = arith.constant 0 : i32
    return %arg0, %c0_i32 : i32, i32
  }
}

</mosaic_0001>

<sc_bundles>
// kernel: kernel.6.cloned.1.call-start
scs
__scs_entry_jumppad:
0x0: {  	(pc) =	sbr.rel $0x88, $3  }
0x1: {  	(tag) =	ssettag $0x0;
	lr =	simm.s32 $0x1  }
0x2: {  	[smem:$0x3F98] =	sst lr;
	_ =	strace $0xD0000000  }
0x3: {  	_ = 	snop  }
0x4: {  	_ = 	snop  }
0x5: {  	_ = 	snop  }
0x6: {  	_ = 	snop  }
0x7: {  	_ = 	snop  }
__scs_overlays_trampoline_lowered:
0x8: {  	[smem:$0x3FA7] =	sst s0  }
0x9: {  	[smem:$0x3FA8] =	sst s1  }
0xa: {  	[smem:$0x3FA9] =	sst s2  }
0xb: {  	[smem:$0x3FAA] =	sst s3  }
0xc: {  	[smem:$0x3FAB] =	sst s4  }
0xd: {  	[smem:$0x3FAC] =	sst s5  }
0xe: {  	[smem:$0x3FAD] =	sst s6  }
0xf: {  	[smem:$0x3FAE] =	sst s7  }
0x10: {  	[smem:$0x3FAF] =	sst s8  }
0x11: {  	[smem:$0x3FB0] =	sst s9;
	s0 =	simm.s32 @!p0 $0x0  }
0x12: {  	s1 =	sld [smem:$0x3F96];
	s0 =	simm.s32 @p0 $0x1  }
0x13: {  	[smem:$0x3FB1] =	sst s0;
	s0 =	simm.s32 @!p1 $0x0  }
0x14: {  	s2 =	sld [smem:$0x3F95];
	s0 =	simm.s32 @p1 $0x1  }
0x15: {  	[smem:$0x3FB2] =	sst s0;
	s0 =	simm.s32 @!p2 $0x0  }
0x16: {  	s3 =	sld [smem:$0x3FDB];
	s0 =	simm.s32 @p2 $0x1  }
0x17: {  	s4 =	simm.s32 $0x1BF5;
	[smem:$0x3FB4] =	sst s0  }
0x18: {  	s0 =	sld [smem:$0x3F97];
	_ =	swait.ge [sflag:s4], $0x0  }
0x19: {  	s7 =	sld [smem:$0x3F98]  }
0x1a: {  	s8 =	sadd.s32 $0xFFFFE003, lr  }
0x1b: {  	s9 =	sadd.s32 $0xFFFFFEF7, lr;
	s5 =	simm.s32 $0xFFFFFFFF;
	p2 =	slt.u32 s8, $0xFFFFF086  }
0x1c: {  	p1 =	slt.u32 s9, $0xF7A;
	s5 =	simm.s32 @!p2 $0x0  }
0x1d: {  	s5 =	simm.s32 @p1 $0x1;
	p0 =	seq.s32 s7, s2  }
0x1e: {  	s7 =	smul.u32 @!p0 $0xF7A, s2;
	p2 =	seq.s32 @!p0 s5, $0x0  }
0x1f: {  	s9 =	smul.u32 $0xF7A, s1;
	s8 =	simm.s32 @!p0 $0x1BF5;
	p2 =	por !p2, p0  }
0x20: {  	[sflag:s8] =	ssyncset.s32 @!p0 $0xFFFFF086;
	s6 =	sadd.s32 @!p0 s3, s7;
	s7 =	simm.s32 @!p0 $0x108  }
0x21: {  	s3 =	sadd.s32 s3, s9;
	s6 =	sadd.s32 @!p0 $0x88, s6;
	s7 =	simm.s32 @p2 $0x1082  }
0x22: {  	[simem:s7], [sflag:s8] =	dma.local @!p0 [hbm:s6], $0xF7A  }
0x23: {  	s9 =	sor.u32 $0xD0000000, s2;
	s6 =	simm.s32 $0x108;
	_ =	swait.ge @!p0 [sflag:s8], $0x0  }
0x24: {  	s3 =	sadd.s32 $0x88, s3;
	s6 =	simm.s32 @!p1 $0x1082;
	[sflag:s4] =	ssyncset.s32 $0xFFFFF086  }
0x25: {  	[simem:s6], [sflag:s4] =	dma.local [hbm:s3], $0xF7A  }
0x26: {  	[smem:$0x3F98] =	sst s1;
	(tag) =	ssettag s2;
	_ =	strace s9  }
0x27: {  	s1 =	sld [smem:$0x3FA8]  }
0x28: {  	s2 =	sld [smem:$0x3FA9]  }
0x29: {  	s4 =	sld [smem:$0x3FAB]  }
0x2a: {  	p0 =	seq.s32 s5, $0x0;
	s5 =	sld [smem:$0x3FAC]  }
0x2b: {  	s6 =	sld [smem:$0x3FAD]  }
0x2c: {  	s7 =	sld [smem:$0x3FAE]  }
0x2d: {  	s3 =	simm.s32 $0x108;
	s8 =	sld [smem:$0x3FAF]  }
0x2e: {  	s3 =	simm.s32 @!p0 $0x1082;
	s9 =	sld [smem:$0x3FB0]  }
0x2f: {  	lr =	sadd.s32 s0, s3;
	s0 =	sld [smem:$0x3FA7]  }
0x30: {  	s3 =	sld [smem:$0x3FAA]  }
0x31: {  	[smem:$0x3FB3] =	sst s10  }
0x32: {  	s10 =	sld [smem:$0x3FB1];
	_ =	sdelay $0x3  }
0x33: {  	p0 =	seq.s32 s10, $0x1;
	s10 =	sld [smem:$0x3FB3];
	_ =	sdelay $0x3  }
0x34: {  	[smem:$0x3FB3] =	sst s10  }
0x35: {  	s10 =	sld [smem:$0x3FB2];
	_ =	sdelay $0x3  }
0x36: {  	p1 =	seq.s32 s10, $0x1;
	s10 =	sld [smem:$0x3FB3];
	_ =	sdelay $0x3  }
0x37: {  	[smem:$0x3FB3] =	sst s10  }
0x38: {  	s10 =	sld [smem:$0x3FB4]  }
0x39: {  	_ = 	snop;
	(pc) =	sbr.ind lr, $3  }
0x3a: {  	_ = 	snop  }
0x3b: {  	_ = 	snop  }
0x3c: {  	p2 =	seq.s32 s10, $0x1;
	s10 =	sld [smem:$0x3FB3]  }
0x3d: {  	_ =	shalt  }
0x3e: {  	_ =	shalt  }
0x3f: {  	_ =	shalt  }
0x40: {  	_ =	shalt  }
0x41: {  	_ =	shalt  }
0x42: {  	_ =	shalt  }
0x43: {  	_ =	shalt  }
0x44: {  	_ =	shalt  }
0x45: {  	_ =	shalt  }
0x46: {  	_ =	shalt  }
0x47: {  	_ =	shalt  }
0x48: {  	_ =	shalt  }
0x49: {  	_ =	shalt  }
0x4a: {  	_ =	shalt  }
0x4b: {  	_ =	shalt  }
0x4c: {  	_ =	shalt  }
0x4d: {  	_ =	shalt  }
0x4e: {  	_ =	shalt  }
0x4f: {  	_ =	shalt  }
0x50: {  	_ =	shalt  }
0x51: {  	_ =	shalt  }
0x52: {  	_ =	shalt  }
0x53: {  	_ =	shalt  }
0x54: {  	_ =	shalt  }
0x55: {  	_ =	shalt  }
0x56: {  	_ =	shalt  }
0x57: {  	_ =	shalt  }
0x58: {  	_ =	shalt  }
0x59: {  	_ =	shalt  }
0x5a: {  	_ =	shalt  }
0x5b: {  	_ =	shalt  }
0x5c: {  	_ =	shalt  }
0x5d: {  	_ =	shalt  }
0x5e: {  	_ =	shalt  }
0x5f: {  	_ =	shalt  }
0x60: {  	_ =	shalt  }
0x61: {  	_ =	shalt  }
0x62: {  	_ =	shalt  }
0x63: {  	_ =	shalt  }
0x64: {  	_ =	shalt  }
0x65: {  	_ =	shalt  }
0x66: {  	_ =	shalt  }
0x67: {  	_ =	shalt  }
0x68: {  	_ =	shalt  }
0x69: {  	_ =	shalt  }
0x6a: {  	_ =	shalt  }
0x6b: {  	_ =	shalt  }
0x6c: {  	_ =	shalt  }
0x6d: {  	_ =	shalt  }
0x6e: {  	_ =	shalt  }
0x6f: {  	_ =	shalt  }
0x70: {  	_ =	shalt  }
0x71: {  	_ =	shalt  }
0x72: {  	_ =	shalt  }
0x73: {  	_ =	shalt  }
0x74: {  	_ =	shalt  }
0x75: {  	_ =	shalt  }
0x76: {  	_ =	shalt  }
0x77: {  	_ =	shalt  }
0x78: {  	_ =	shalt  }
0x79: {  	_ =	shalt  }
0x7a: {  	_ =	shalt  }
0x7b: {  	_ =	shalt  }
0x7c: {  	_ =	shalt  }
0x7d: {  	_ =	shalt  }
0x7e: {  	_ =	shalt  }
0x7f: {  	_ =	shalt  }
0x80: {  	_ =	shalt  }
0x81: {  	_ =	shalt  }
0x82: {  	_ =	shalt  }
0x83: {  	_ =	shalt  }
0x84: {  	_ =	shalt  }
0x85: {  	_ =	shalt  }
0x86: {  	_ =	shalt  }
0x87: {  	_ =	shalt  }
.Lfunc_end0:
.L_simem_size_0:
called_computation_lowered:
.L_overlay_start_0:
0x88: {  	s2 =	sld [smem:$0x3FD9]  }
0x89: {  	s3 =	sld [smem:$0x3FFE];
	_ =	sdelay $0x1  }
0x8a: {  	s1 =	srdreg.scid  }
0x8b: {  	s0 =	sand.u32 $0x1, s1  }
0x8c: {  	s14 =	sshll.u32 s0, $0xA;
	s2 =	sadd.s32 s3, s2  }
0x8d: {  	s2 =	sadd.s32 s2, s14  }
0x8e: {  	[smem:$0x3FBF] =	sst s2  }
0x8f: {  	_ = 	snop  }
0x90: {  	s2 =	sld [smem:$0x3FD0];
	_ =	sdelay $0x2  }
0x91: {  	s15 =	simm.s32 $0xA;
	s4 =	simm.s32 $0x10  }
0x92: {  	[smem:s4], [sflag:s15] =	dma.local [hbm:s2], $0x1  }
0x93: {  	_ =	swait.eq [sflag:s15], $0x1  }
0x94: {  	[sflag:s15] =	ssyncset.done $0x0  }
0x95: {  	[sflag:s15] =	ssyncadd.s32 $0xFFFFFFFF  }
0x96: {  	s16 =	sld [smem:$0x10];
	(tm) =	ssettm $0x1  }
0x97: {  	s17 =	sld [smem:$0x3FFB];
	_ =	sdelay $0x3  }
0x98: {  	_ =	strace s17  }
0x99: {  	s3 =	sld [smem:$0x3FFC];
	_ =	sdelay $0x3  }
0x9a: {  	_ =	strace s3  }
0x9b: {  	s3 =	sld [smem:$0x3FFD];
	_ =	sdelay $0x3  }
0x9c: {  	_ =	strace s3  }
0x9d: {  	_ =	strace $0x8FFFFFFF  }
0x9e: {  	s18 =	sld [smem:$0x3FDB];
	_ =	sdelay $0x1  }
0x9f: {  	s19 =	simm.s32 $_scs_section_size  }
0xa0: {  	s5 =	simm.s32 $_size__tile_overlayer_lowered;
	s6 =	simm.s32 $_tile_overlayer_lowered  }
0xa1: {  	s22 =	simm.s32 $0x1BFF;
	s21 =	sshll.u32 s6, $0x1;
	s3 =	sadd.s32 s19, s18  }
0xa2: {  	s7 =	simm.s32 $0x0;
	s20 =	sshll.u32 s5, $0x1;
	s5 =	sadd.s32 s21, s3  }
0xa3: {  	[timem:s7], [sflag:s22] =	dma.local [hbm:s5], s20  }
0xa4: {  	_ =	swait.ge [sflag:s22], s20  }
0xa5: {  	s4 =	ssub.s32 $0x0, s20;
	[sflag:s22] =	ssyncset.done $0x0  }
0xa6: {  	[sflag:s22] =	ssyncadd.s32 s4;
	_ =	sdelay $0x1  }
0xa7: {  	s23 =	simm.s32 $0x1B8B  }
0xa8: {  	_ =	swait.ge [sflag:s23], $0x1  }
0xa9: {  	[sflag:s23] =	ssyncset.done $0x0  }
0xaa: {  	s25 =	simm.s32 $0x1B8E;
	s24 =	sld [smem:$0x3FFE];
	[sflag:s23] =	ssyncadd.s32 $0xFFFFFFFF  }
0xab: {  	s26 =	simm.s32 $execute0_lowered;
	[smem:$0x3FD2] =	sst s25  }
0xac: {  	s5 =	sshll.u32 s26, $0x1;
	_ =	strace $0x80000046;
	[dreg:$0x1] =	wrdreg $0xFFFFFFFF  }
0xad: {  	s28 =	simm.s32 $_size_execute0_lowered;
	s3 =	sadd.s32 s3, s5;
	[dreg:$0x0] =	wrdreg $0x0  }
0xae: {  	s5 =	sshll.u32 s28, $0x1;
	[dreg:$0x2] =	wrdreg s3  }
0xaf: {  	[dreg:$0x3] =	wrdreg s5  }
0xb0: {  	[dreg:$0x4] =	wrdreg $0xC0  }
0xb1: {  	_ =	task [dreg:s7], $0x5FFFF  }
0xb2: {  	[dreg:$0x1] =	wrdreg $0xFFFFFFFF  }
0xb3: {  	[dreg:$0x0] =	wrdreg $0x60  }
0xb4: {  	[dreg:$0x2] =	wrdreg s24  }
0xb5: {  	[dreg:$0x3] =	wrdreg s16  }
0xb6: {  	[dreg:$0x4] =	wrdreg $0x9  }
0xb7: {  	_ =	task.clear_ibuf [dreg:s7], $0x5FFFF;
	_ =	strace $0x90000046  }
0xb8: {  	s29 =	simm.s32 $0x9;
	_ =	strace $0x80000048  }
0xb9: {  	_ =	swait.ge [sflag:s29], $0x1  }
0xba: {  	[sflag:s29] =	ssyncadd.s32 $0xFFFFFFFF  }
0xbb: {  	_ =	strace $0x90000048  }
0xbc: {  	_ =	sfence  }
0xbd: {  	s30 =	sld [smem:$0x0];
	_ =	sdelay $0x2  }
0xbe: {  	s31 =	sshll.u32 s1, $0xD;
	s1 =	sshrl.u32 s1, $0x2  }
0xbf: {  	s3 =	sand.u32 $0x4000, s31;
	s1 =	sadd.s32 s1, s30  }
0xc0: {  	s0 =	sor.u32 s3, s0;
	s1 =	sshll.u32 s1, $0x11  }
0xc1: {  	s0 =	sor.u32 s1, s0  }
0xc2: {  	s0 =	sadd.s32 $0x8F2B, s0  }
0xc3: {  	[sflag:s0] =	ssyncadd.remote.s32 $0x1  }
0xc4: {  	_ =	sfence.sel $0xFFFF  }
0xc5: {  	[dreg:$0x0] =	wrdreg $0xFFFFFFFF;
	(pc) =	sbr.abs _section_cstart, $3  }
0xc6: {  	[dreg:$0x1] =	wrdreg $0xFFFFFFFF  }
0xc7: {  	_ =	task.clear_ibuf [dreg:s7], $0x2FFFF;
	_ =	strace $0x9FFFFFFF  }
0xc8: {  	(tm) =	ssettm $0x7FFFFFFF  }
0xc9: {  	_ =	shalt  }
tec
execute0_lowered:
.L_overlay_start_1:
0x0: {  	(tag) =	ssettag $0x1  }
0x1: {  	s1 =	srdreg.scid;
	s4 =	rddreg [dreg:$0x0]  }
0x2: {  	s0 =	stileid.u32;
	s2 =	rddreg [dreg:$0x1]  }
0x3: {  	s3 =	simm.s32 $0x0;
	s9 =	simm.s32 $0x80;
	s10 =	simm.s32 $0x880  }
0x4: {  	s11 =	simm.s32 $0xC80;
	s12 =	simm.s32 $0x1480;
	s13 =	simm.s32 $0x1880  }
0x5: {  	s14 =	simm.s32 $0x2080;
	s15 =	simm.s32 $0x2480;
	s16 =	simm.s32 $0x2C80  }
0x6: {  	s17 =	simm.s32 $0x3080;
	s18 =	simm.s32 $0x3880;
	s19 =	simm.s32 $0x3C80  }
0x7: {  	s20 =	simm.s32 $0x4480;
	s21 =	simm.s32 $0x4880;
	s22 =	simm.s32 $0x5080  }
0x8: {  	s23 =	simm.s32 $0x5480;
	s24 =	simm.s32 $0x5C80;
	s5 =	sand.u32 $0x1, s1  }
0x9: {  	s25 =	simm.s32 $0x1;
	s6 =	sshll.u32 s0, $0x4;
	s7 =	sshll.u32 s5, $0x3  }
0xa: {  	s1 =	rddreg [dreg:$0x2];
	s5 =	ssub.s32 $0x2, s5;
	s6 =	sor.u32 s7, s6  }
0xb: {  	[smem:$0x7FF] =	sst s3;
	s8 =	sshrl.u32 s5, $0x1;
	s7 =	smul.u32 $0x180, s6  }
0xc: {  	v2 =	vlaneseq.u32;
	_ =	strace $0x80000047;
	s6 =	sadd.s32 s6, s4;
	s8 =	ssub.s32 s5, s8  }
0xd: {  	vm0 =	vmmov $0xffff;
	vm1 =	vmmov $0xff;
	v1 =	vshrl.u32 v2, $0x3;
	s7 =	sadd.s32 s7, s4;
	s4 =	sadd.s32 $0x18800, s6;
	s6 =	sadd.s32 $0x100, s2  }
0xe: {  	v0 =	vand.u32 $0x7, v2;
	v2 =	vor.u32 $0x8, v2;
	v1 =	vmul.u32 $0x8, v1;
	s5 =	sadd.s32 $0x800, s7;
	s7 =	smax.u32 s8, $0x1;
	s8 =	simm.s32 $0x2  }
.LBB2_1:
0xf: {  	[tilespmem:s3], [sflag:$0x2] =	stream.linear.gather [hbm4b:s4+s3], $0x40, $0x38;
	[tilespmem:$0x6080] =	vst v63  }
0x10: {  	_ =	swait.ge [sflag:s8], $0x40  }
0x11: {  	[sflag:s8] =	ssyncset.done $0x0  }
0x12: {  	[sflag:s8] =	ssyncadd.s32 $0xFFFFFFC0  }
0x13: {  	[tilespmem:s9], [sflag:$0x2] =	stream.linear.gather [hbm4b:s5+s3], $0x6000, $0x38;
	[tilespmem:$0x6080] =	vst v63  }
0x14: {  	_ =	swait.ge [sflag:s8], $0x6000  }
0x15: {  	[sflag:s8] =	ssyncset.done $0x0  }
0x16: {  	[sflag:s8] =	ssyncadd.s32 $0xFFFFA000  }
0x17: {  	v3 =	vld [tilespmem:$0x0];
	_ =	sdelay $0x4  }
0x18: {  	v4 =	vshrl.u32 v3, $0x3  }
0x19: {  	v4 =	vmul.u32 $0x18, v4  }
0x1a: {  	v3 =	vand.u32 $0x7, v3  }
0x1b: {  	v3 =	vor.u32 v3, v4  }
0x1c: {  	v4 =	vperm.xlane v3, v0;
	_ =	sdelay $0x1  }
0x1d: {  	v4 =	vadd.s32 v1, v4;
	_ =	sdelay $0x1  }
0x1e: {  	v3 =	vperm.xlane v3, v2;
	_ =	sdelay $0x1  }
0x1f: {  	v3 =	vadd.s32 v1, v3  }
0x20: {  	[hbm4b:s2+s3] =	stream.indirect_vreg.scatter [tilespmem:s9], [sflag:$0x1], $0x80, v4, vm0, $0xb8;
	[tilespmem:$0x6080] =	vst v63  }
0x21: {  	_ = 	snop  }
0x22: {  	[hbm4b:s6+s3] =	stream.indirect_vreg.scatter [tilespmem:s10], [sflag:$0x1], $0x80, v4, vm1, $0xb8;
	[tilespmem:$0x6080] =	vst v63  }
0x23: {  	_ = 	snop  }
0x24: {  	[hbm4b:s2+s3] =	stream.indirect_vreg.scatter [tilespmem:s11], [sflag:$0x1], $0x80, v3, vm0, $0xb8;
	[tilespmem:$0x6080] =	vst v63  }
0x25: {  	_ = 	snop  }
0x26: {  	[hbm4b:s6+s3] =	stream.indirect_vreg.scatter [tilespmem:s12], [sflag:$0x1], $0x80, v3, vm1, $0xb8;
	[tilespmem:$0x6080] =	vst v63  }
0x27: {  	v3 =	vld [tilespmem:$0x10];
	_ =	sdelay $0x4  }
0x28: {  	v61 =	vshrl.u32 v3, $0x3  }
0x29: {  	v4 =	vmul.u32 $0x18, v61  }
0x2a: {  	v3 =	vand.u32 $0x7, v3  }
0x2b: {  	v3 =	vor.u32 v3, v4  }
0x2c: {  	v4 =	vperm.xlane v3, v0;
	_ =	sdelay $0x1  }
0x2d: {  	v4 =	vadd.s32 v1, v4;
	_ =	sdelay $0x1  }
0x2e: {  	v3 =	vperm.xlane v3, v2;
	_ =	sdelay $0x1  }
0x2f: {  	v3 =	vadd.s32 v1, v3  }
0x30: {  	[hbm4b:s2+s3] =	stream.indirect_vreg.scatter [tilespmem:s13], [sflag:$0x1], $0x80, v4, vm0, $0xb8;
	[tilespmem:$0x6080] =	vst v63  }
0x31: {  	_ = 	snop  }
0x32: {  	[hbm4b:s6+s3] =	stream.indirect_vreg.scatter [tilespmem:s14], [sflag:$0x1], $0x80, v4, vm1, $0xb8;
	[tilespmem:$0x6080] =	vst v63  }
0x33: {  	_ = 	snop  }
0x34: {  	[hbm4b:s2+s3] =	stream.indirect_vreg.scatter [tilespmem:s15], [sflag:$0x1], $0x80, v3, vm0, $0xb8;
	[tilespmem:$0x6080] =	vst v63  }
0x35: {  	_ = 	snop  }
0x36: {  	[hbm4b:s6+s3] =	stream.indirect_vreg.scatter [tilespmem:s16], [sflag:$0x1], $0x80, v3, vm1, $0xb8;
	[tilespmem:$0x6080] =	vst v63  }
0x37: {  	v3 =	vld [tilespmem:$0x20];
	_ =	sdelay $0x4  }
0x38: {  	v62 =	vshrl.u32 v3, $0x3  }
0x39: {  	v4 =	vmul.u32 $0x18, v62  }
0x3a: {  	v3 =	vand.u32 $0x7, v3  }
0x3b: {  	v3 =	vor.u32 v3, v4  }
0x3c: {  	v4 =	vperm.xlane v3, v0;
	_ =	sdelay $0x1  }
0x3d: {  	v4 =	vadd.s32 v1, v4;
	_ =	sdelay $0x1  }
0x3e: {  	v3 =	vperm.xlane v3, v2;
	_ =	sdelay $0x1  }
0x3f: {  	v3 =	vadd.s32 v1, v3  }
0x40: {  	[hbm4b:s2+s3] =	stream.indirect_vreg.scatter [tilespmem:s17], [sflag:$0x1], $0x80, v4, vm0, $0xb8;
	[tilespmem:$0x6080] =	vst v63  }
0x41: {  	_ = 	snop  }
0x42: {  	[hbm4b:s6+s3] =	stream.indirect_vreg.scatter [tilespmem:s18], [sflag:$0x1], $0x80, v4, vm1, $0xb8;
	[tilespmem:$0x6080] =	vst v63  }
0x43: {  	_ = 	snop  }
0x44: {  	[hbm4b:s2+s3] =	stream.indirect_vreg.scatter [tilespmem:s19], [sflag:$0x1], $0x80, v3, vm0, $0xb8;
	[tilespmem:$0x6080] =	vst v63  }
0x45: {  	_ = 	snop  }
0x46: {  	[hbm4b:s6+s3] =	stream.indirect_vreg.scatter [tilespmem:s20], [sflag:$0x1], $0x80, v3, vm1, $0xb8;
	[tilespmem:$0x6080] =	vst v63  }
0x47: {  	v3 =	vld [tilespmem:$0x30];
	_ =	sdelay $0x4  }
0x48: {  	v63 =	vshrl.u32 v3, $0x3  }
0x49: {  	v4 =	vmul.u32 $0x18, v63  }
0x4a: {  	v3 =	vand.u32 $0x7, v3  }
0x4b: {  	v3 =	vor.u32 v3, v4  }
0x4c: {  	v4 =	vperm.xlane v3, v0;
	_ =	sdelay $0x1  }
0x4d: {  	v4 =	vadd.s32 v1, v4;
	_ =	sdelay $0x1  }
0x4e: {  	v3 =	vperm.xlane v3, v2;
	_ =	sdelay $0x1  }
0x4f: {  	v3 =	vadd.s32 v1, v3  }
0x50: {  	[hbm4b:s2+s3] =	stream.indirect_vreg.scatter [tilespmem:s21], [sflag:$0x1], $0x80, v4, vm0, $0xb8;
	[tilespmem:$0x6080] =	vst v63  }
0x51: {  	_ = 	snop  }
0x52: {  	[hbm4b:s6+s3] =	stream.indirect_vreg.scatter [tilespmem:s22], [sflag:$0x1], $0x80, v4, vm1, $0xb8;
	[tilespmem:$0x6080] =	vst v63  }
0x53: {  	p0 =	sne.s32 s7, $0x1  }
0x54: {  	[hbm4b:s2+s3] =	stream.indirect_vreg.scatter [tilespmem:s23], [sflag:$0x1], $0x80, v3, vm0, $0xb8;
	[tilespmem:$0x6080] =	vst v63  }
.Ltmp0:
0x55: {  	_ = 	snop;
	(pc) =	sbr.rel @p0 .LBB2_1-.Ltmp0, $4  }
0x56: {  	[hbm4b:s6+s3] =	stream.indirect_vreg.scatter [tilespmem:s24], [sflag:$0x1], $0x80, v3, vm1, $0xb8;
	[tilespmem:$0x6080] =	vst v63  }
0x57: {  	_ =	swait.ge [sflag:s25], $0x6000  }
0x58: {  	[sflag:s25] =	ssyncset.done $0x0  }
0x59: {  	s7 =	sadd.s32 $0xFFFFFFFF, s7;
	[sflag:s25] =	ssyncadd.s32 $0xFFFFA000  }
0x5a: {  	_ =	sfence.sel $0x180000  }
0x5b: {  	[bflag:$0x0] =	sbarrier.arrive $0xFFFF  }
0x5c: {  	p0 =	sne.s32 s0, $0x0;
	_ =	strace $0x90000047  }
0x5d: {  	s0 =	sadd.s32 @!p0 $0x100000, s1;
	[bflag:$0x2] =	sbarrier.arrive $0xFFFF  }
0x5e: {  	[sflag:s0] =	ssyncadd.tile.s32 @!p0 $0x1;
	_ =	shalt  }
.Lfunc_end2:
_tile_overlayer_lowered:
.L_overlay_start_2:
0x5f: {  	(tag) =	ssettag $0x2  }
0x60: {  	s0 =	rddreg [dreg:$0x0];
	s2 =	stileid.u32  }
0x61: {  	s1 =	rddreg [dreg:$0x1];
	p0 =	sne.s32 s2, $0x0  }
0x62: {  	s3 =	rddreg [dreg:$0x2];
	[bflag:$0x3] =	sbarrier.arrive $0xFFFF;
	s2 =	simm.s32 @!p0 $0x1C02  }
0x63: {  	[timem:s3], [sflag:s2] =	dma.local @!p0 [hbm:s0], s1  }
0x64: {  	s0 =	simm.s32 @!p0 $0x2  }
0x65: {  	_ =	swait.ge @!p0 [sflag:s0], s1  }
0x66: {  	s1 =	ssub.s32 @!p0 $0x0, s1;
	[sflag:s0] =	ssyncset.done @!p0 $0x0  }
0x67: {  	[sflag:s0] =	ssyncadd.s32 @!p0 s1  }
0x68: {  	[bflag:$0x3] =	sbarrier.arrive $0xFFFF  }
0x69: {  	_ =	shalt  }

// kernel: kernel.9.cloned.1.call-start
scs
__scs_entry_jumppad:
0x0: {  	(pc) =	sbr.rel $0x88, $3  }
0x1: {  	(tag) =	ssettag $0x0;
	lr =	simm.s32 $0x1  }
0x2: {  	[smem:$0x3F98] =	sst lr;
	_ =	strace $0xD0000000  }
0x3: {  	_ = 	snop  }
0x4: {  	_ = 	snop  }
0x5: {  	_ = 	snop  }
0x6: {  	_ = 	snop  }
0x7: {  	_ = 	snop  }
__scs_overlays_trampoline_lowered:
0x8: {  	[smem:$0x3FA7] =	sst s0  }
0x9: {  	[smem:$0x3FA8] =	sst s1  }
0xa: {  	[smem:$0x3FA9] =	sst s2  }
0xb: {  	[smem:$0x3FAA] =	sst s3  }
0xc: {  	[smem:$0x3FAB] =	sst s4  }
0xd: {  	[smem:$0x3FAC] =	sst s5  }
0xe: {  	[smem:$0x3FAD] =	sst s6  }
0xf: {  	[smem:$0x3FAE] =	sst s7  }
0x10: {  	[smem:$0x3FAF] =	sst s8  }
0x11: {  	[smem:$0x3FB0] =	sst s9;
	s0 =	simm.s32 @!p0 $0x0  }
0x12: {  	s1 =	sld [smem:$0x3F96];
	s0 =	simm.s32 @p0 $0x1  }
0x13: {  	[smem:$0x3FB1] =	sst s0;
	s0 =	simm.s32 @!p1 $0x0  }
0x14: {  	s2 =	sld [smem:$0x3F95];
	s0 =	simm.s32 @p1 $0x1  }
0x15: {  	[smem:$0x3FB2] =	sst s0;
	s0 =	simm.s32 @!p2 $0x0  }
0x16: {  	s3 =	sld [smem:$0x3FDB];
	s0 =	simm.s32 @p2 $0x1  }
0x17: {  	s4 =	simm.s32 $0x1BF5;
	[smem:$0x3FB4] =	sst s0  }
0x18: {  	s0 =	sld [smem:$0x3F97];
	_ =	swait.ge [sflag:s4], $0x0  }
0x19: {  	s7 =	sld [smem:$0x3F98]  }
0x1a: {  	s8 =	sadd.s32 $0xFFFFE003, lr  }
0x1b: {  	s9 =	sadd.s32 $0xFFFFFEF7, lr;
	s5 =	simm.s32 $0xFFFFFFFF;
	p2 =	slt.u32 s8, $0xFFFFF086  }
0x1c: {  	p1 =	slt.u32 s9, $0xF7A;
	s5 =	simm.s32 @!p2 $0x0  }
0x1d: {  	s5 =	simm.s32 @p1 $0x1;
	p0 =	seq.s32 s7, s2  }
0x1e: {  	s7 =	smul.u32 @!p0 $0xF7A, s2;
	p2 =	seq.s32 @!p0 s5, $0x0  }
0x1f: {  	s9 =	smul.u32 $0xF7A, s1;
	s8 =	simm.s32 @!p0 $0x1BF5;
	p2 =	por !p2, p0  }
0x20: {  	[sflag:s8] =	ssyncset.s32 @!p0 $0xFFFFF086;
	s6 =	sadd.s32 @!p0 s3, s7;
	s7 =	simm.s32 @!p0 $0x108  }
0x21: {  	s3 =	sadd.s32 s3, s9;
	s6 =	sadd.s32 @!p0 $0x88, s6;
	s7 =	simm.s32 @p2 $0x1082  }
0x22: {  	[simem:s7], [sflag:s8] =	dma.local @!p0 [hbm:s6], $0xF7A  }
0x23: {  	s9 =	sor.u32 $0xD0000000, s2;
	s6 =	simm.s32 $0x108;
	_ =	swait.ge @!p0 [sflag:s8], $0x0  }
0x24: {  	s3 =	sadd.s32 $0x88, s3;
	s6 =	simm.s32 @!p1 $0x1082;
	[sflag:s4] =	ssyncset.s32 $0xFFFFF086  }
0x25: {  	[simem:s6], [sflag:s4] =	dma.local [hbm:s3], $0xF7A  }
0x26: {  	[smem:$0x3F98] =	sst s1;
	(tag) =	ssettag s2;
	_ =	strace s9  }
0x27: {  	s1 =	sld [smem:$0x3FA8]  }
0x28: {  	s2 =	sld [smem:$0x3FA9]  }
0x29: {  	s4 =	sld [smem:$0x3FAB]  }
0x2a: {  	p0 =	seq.s32 s5, $0x0;
	s5 =	sld [smem:$0x3FAC]  }
0x2b: {  	s6 =	sld [smem:$0x3FAD]  }
0x2c: {  	s7 =	sld [smem:$0x3FAE]  }
0x2d: {  	s3 =	simm.s32 $0x108;
	s8 =	sld [smem:$0x3FAF]  }
0x2e: {  	s3 =	simm.s32 @!p0 $0x1082;
	s9 =	sld [smem:$0x3FB0]  }
0x2f: {  	lr =	sadd.s32 s0, s3;
	s0 =	sld [smem:$0x3FA7]  }
0x30: {  	s3 =	sld [smem:$0x3FAA]  }
0x31: {  	[smem:$0x3FB3] =	sst s10  }
0x32: {  	s10 =	sld [smem:$0x3FB1];
	_ =	sdelay $0x3  }
0x33: {  	p0 =	seq.s32 s10, $0x1;
	s10 =	sld [smem:$0x3FB3];
	_ =	sdelay $0x3  }
0x34: {  	[smem:$0x3FB3] =	sst s10  }
0x35: {  	s10 =	sld [smem:$0x3FB2];
	_ =	sdelay $0x3  }
0x36: {  	p1 =	seq.s32 s10, $0x1;
	s10 =	sld [smem:$0x3FB3];
	_ =	sdelay $0x3  }
0x37: {  	[smem:$0x3FB3] =	sst s10  }
0x38: {  	s10 =	sld [smem:$0x3FB4]  }
0x39: {  	_ = 	snop;
	(pc) =	sbr.ind lr, $3  }
0x3a: {  	_ = 	snop  }
0x3b: {  	_ = 	snop  }
0x3c: {  	p2 =	seq.s32 s10, $0x1;
	s10 =	sld [smem:$0x3FB3]  }
0x3d: {  	_ =	shalt  }
0x3e: {  	_ =	shalt  }
0x3f: {  	_ =	shalt  }
0x40: {  	_ =	shalt  }
0x41: {  	_ =	shalt  }
0x42: {  	_ =	shalt  }
0x43: {  	_ =	shalt  }
0x44: {  	_ =	shalt  }
0x45: {  	_ =	shalt  }
0x46: {  	_ =	shalt  }
0x47: {  	_ =	shalt  }
0x48: {  	_ =	shalt  }
0x49: {  	_ =	shalt  }
0x4a: {  	_ =	shalt  }
0x4b: {  	_ =	shalt  }
0x4c: {  	_ =	shalt  }
0x4d: {  	_ =	shalt  }
0x4e: {  	_ =	shalt  }
0x4f: {  	_ =	shalt  }
0x50: {  	_ =	shalt  }
0x51: {  	_ =	shalt  }
0x52: {  	_ =	shalt  }
0x53: {  	_ =	shalt  }
0x54: {  	_ =	shalt  }
0x55: {  	_ =	shalt  }
0x56: {  	_ =	shalt  }
0x57: {  	_ =	shalt  }
0x58: {  	_ =	shalt  }
0x59: {  	_ =	shalt  }
0x5a: {  	_ =	shalt  }
0x5b: {  	_ =	shalt  }
0x5c: {  	_ =	shalt  }
0x5d: {  	_ =	shalt  }
0x5e: {  	_ =	shalt  }
0x5f: {  	_ =	shalt  }
0x60: {  	_ =	shalt  }
0x61: {  	_ =	shalt  }
0x62: {  	_ =	shalt  }
0x63: {  	_ =	shalt  }
0x64: {  	_ =	shalt  }
0x65: {  	_ =	shalt  }
0x66: {  	_ =	shalt  }
0x67: {  	_ =	shalt  }
0x68: {  	_ =	shalt  }
0x69: {  	_ =	shalt  }
0x6a: {  	_ =	shalt  }
0x6b: {  	_ =	shalt  }
0x6c: {  	_ =	shalt  }
0x6d: {  	_ =	shalt  }
0x6e: {  	_ =	shalt  }
0x6f: {  	_ =	shalt  }
0x70: {  	_ =	shalt  }
0x71: {  	_ =	shalt  }
0x72: {  	_ =	shalt  }
0x73: {  	_ =	shalt  }
0x74: {  	_ =	shalt  }
0x75: {  	_ =	shalt  }
0x76: {  	_ =	shalt  }
0x77: {  	_ =	shalt  }
0x78: {  	_ =	shalt  }
0x79: {  	_ =	shalt  }
0x7a: {  	_ =	shalt  }
0x7b: {  	_ =	shalt  }
0x7c: {  	_ =	shalt  }
0x7d: {  	_ =	shalt  }
0x7e: {  	_ =	shalt  }
0x7f: {  	_ =	shalt  }
0x80: {  	_ =	shalt  }
0x81: {  	_ =	shalt  }
0x82: {  	_ =	shalt  }
0x83: {  	_ =	shalt  }
0x84: {  	_ =	shalt  }
0x85: {  	_ =	shalt  }
0x86: {  	_ =	shalt  }
0x87: {  	_ =	shalt  }
.Lfunc_end0:
.L_simem_size_0:
called_computation.1_lowered:
.L_overlay_start_0:
0x88: {  	s2 =	sld [smem:$0x3FD9]  }
0x89: {  	s3 =	sld [smem:$0x3FFE];
	_ =	sdelay $0x1  }
0x8a: {  	s1 =	srdreg.scid  }
0x8b: {  	s0 =	sand.u32 $0x1, s1  }
0x8c: {  	s14 =	sshll.u32 s0, $0xA;
	s2 =	sadd.s32 s3, s2  }
0x8d: {  	s2 =	sadd.s32 s2, s14  }
0x8e: {  	[smem:$0x3FBF] =	sst s2  }
0x8f: {  	_ = 	snop  }
0x90: {  	s2 =	sld [smem:$0x3FD0];
	_ =	sdelay $0x2  }
0x91: {  	s4 =	simm.s32 $0xA;
	s5 =	simm.s32 $0x10;
	s15 =	sld [smem:$0x3FC9]  }
0x92: {  	[smem:s5], [sflag:s4] =	dma.local [hbm:s2], $0x1  }
0x93: {  	_ =	swait.eq [sflag:s4], $0x1  }
0x94: {  	[sflag:s4] =	ssyncset.done $0x0  }
0x95: {  	[sflag:s4] =	ssyncadd.s32 $0xFFFFFFFF  }
0x96: {  	s16 =	sld [smem:$0x10];
	(tm) =	ssettm $0x1  }
0x97: {  	s17 =	sld [smem:$0x3FFB];
	_ =	sdelay $0x3  }
0x98: {  	_ =	strace s17  }
0x99: {  	s4 =	sld [smem:$0x3FFC];
	_ =	sdelay $0x3  }
0x9a: {  	_ =	strace s4  }
0x9b: {  	s4 =	sld [smem:$0x3FFD];
	_ =	sdelay $0x3  }
0x9c: {  	_ =	strace s4  }
0x9d: {  	_ =	strace $0x8FFFFFFF  }
0x9e: {  	s18 =	sld [smem:$0x3FDB];
	_ =	sdelay $0x1  }
0x9f: {  	s19 =	simm.s32 $_scs_section_size  }
0xa0: {  	s6 =	simm.s32 $_size__tile_overlayer_lowered;
	s7 =	simm.s32 $_tile_overlayer_lowered  }
0xa1: {  	s22 =	simm.s32 $0x1BFF;
	s21 =	sshll.u32 s7, $0x1;
	s4 =	sadd.s32 s19, s18  }
0xa2: {  	s8 =	simm.s32 $0x0;
	s20 =	sshll.u32 s6, $0x1;
	s6 =	sadd.s32 s21, s4  }
0xa3: {  	[timem:s8], [sflag:s22] =	dma.local [hbm:s6], s20  }
0xa4: {  	_ =	swait.ge [sflag:s22], s20  }
0xa5: {  	s5 =	ssub.s32 $0x0, s20;
	[sflag:s22] =	ssyncset.done $0x0  }
0xa6: {  	[sflag:s22] =	ssyncadd.s32 s5;
	_ =	sdelay $0x1  }
0xa7: {  	s23 =	simm.s32 $0x1B8B  }
0xa8: {  	_ =	swait.ge [sflag:s23], $0x1  }
0xa9: {  	[sflag:s23] =	ssyncset.done $0x0  }
0xaa: {  	s25 =	simm.s32 $0x1B8E;
	s24 =	sld [smem:$0x3FFE];
	[sflag:s23] =	ssyncadd.s32 $0xFFFFFFFF  }
0xab: {  	s26 =	simm.s32 $execute0_lowered;
	[smem:$0x3FD2] =	sst s25  }
0xac: {  	s6 =	sshll.u32 s26, $0x1;
	_ =	strace $0x80000049;
	[dreg:$0x1] =	wrdreg $0xFFFFFFFF  }
0xad: {  	s28 =	simm.s32 $_size_execute0_lowered;
	s4 =	sadd.s32 s4, s6;
	[dreg:$0x0] =	wrdreg $0x0  }
0xae: {  	s6 =	sshll.u32 s28, $0x1;
	[dreg:$0x2] =	wrdreg s4  }
0xaf: {  	[dreg:$0x3] =	wrdreg s6  }
0xb0: {  	[dreg:$0x4] =	wrdreg $0xC0  }
0xb1: {  	_ =	task [dreg:s8], $0x5FFFF  }
0xb2: {  	[dreg:$0x1] =	wrdreg $0xFFFFFFFF  }
0xb3: {  	[dreg:$0x0] =	wrdreg $0x60  }
0xb4: {  	[dreg:$0x2] =	wrdreg s24  }
0xb5: {  	[dreg:$0x3] =	wrdreg s15  }
0xb6: {  	[dreg:$0x4] =	wrdreg s16  }
0xb7: {  	[dreg:$0x5] =	wrdreg $0x9  }
0xb8: {  	_ =	task.clear_ibuf [dreg:s8], $0x6FFFF;
	_ =	strace $0x90000049  }
0xb9: {  	s29 =	simm.s32 $0x9;
	_ =	strace $0x8000004B  }
0xba: {  	_ =	swait.ge [sflag:s29], $0x1  }
0xbb: {  	[sflag:s29] =	ssyncadd.s32 $0xFFFFFFFF  }
0xbc: {  	_ =	strace $0x9000004B  }
0xbd: {  	_ =	sfence  }
0xbe: {  	s30 =	sld [smem:$0x0];
	_ =	sdelay $0x2  }
0xbf: {  	s31 =	sshll.u32 s1, $0xD;
	s1 =	sshrl.u32 s1, $0x2  }
0xc0: {  	s3 =	sand.u32 $0x4000, s31;
	s1 =	sadd.s32 s1, s30  }
0xc1: {  	s0 =	sor.u32 s3, s0;
	s1 =	sshll.u32 s1, $0x11  }
0xc2: {  	s0 =	sor.u32 s1, s0  }
0xc3: {  	s0 =	sadd.s32 $0x8F2B, s0  }
0xc4: {  	[sflag:s0] =	ssyncadd.remote.s32 $0x1  }
0xc5: {  	_ =	sfence.sel $0xFFFF  }
0xc6: {  	[dreg:$0x0] =	wrdreg $0xFFFFFFFF;
	(pc) =	sbr.abs _section_cstart, $3  }
0xc7: {  	[dreg:$0x1] =	wrdreg $0xFFFFFFFF  }
0xc8: {  	_ =	task.clear_ibuf [dreg:s8], $0x2FFFF;
	_ =	strace $0x9FFFFFFF  }
0xc9: {  	(tm) =	ssettm $0x7FFFFFFF  }
tec
execute0_lowered:
.L_overlay_start_1:
0x0: {  	(tag) =	ssettag $0x1  }
0x1: {  	s0 =	rddreg [dreg:$0x0]  }
0x2: {  	s1 =	rddreg [dreg:$0x1]  }
0x3: {  	s8 =	rddreg [dreg:$0x2]  }
0x4: {  	s3 =	srdreg.scid;
	s2 =	simm.s32 $0x0;
	s4 =	stileid.u32  }
0x5: {  	s21 =	simm.s32 $0x5080;
	s22 =	simm.s32 $0x5880;
	s23 =	simm.s32 $0x6080  }
0x6: {  	s24 =	simm.s32 $0x6880;
	s25 =	simm.s32 $0x7080;
	s28 =	simm.s32 $0x8080  }
0x7: {  	s29 =	simm.s32 $0x8880;
	s30 =	simm.s32 $0x9080;
	s31 =	simm.s32 $0x9880  }
0x8: {  	s11 =	simm.s32 $0xB080;
	s12 =	simm.s32 $0xB880;
	s13 =	simm.s32 $0x1  }
0x9: {  	s14 =	simm.s32 $0xC080;
	s15 =	simm.s32 $0x0;
	s3 =	sand.u32 $0x1, s3  }
0xa: {  	[smem:$0x7FF] =	sst s2;
	s4 =	sshll.u32 s4, $0x4;
	s5 =	sshll.u32 s3, $0x3  }
0xb: {  	_ =	strace $0x8000004A;
	s26 =	ssub.s32 $0x2, s3;
	s3 =	sadd.s32 $0x18A00, s0  }
0xc: {  	s4 =	sor.u32 s5, s4;
	s7 =	sshrl.u32 s26, $0x1;
	s5 =	sadd.s32 $0x18B00, s0  }
0xd: {  	s6 =	sadd.s32 s4, s0;
	s9 =	smul.u32 $0x300, s4;
	s10 =	ssub.s32 s26, s7  }
0xe: {  	v2 =	vlaneseq.u32;
	s26 =	simm.s32 $0x7880;
	s4 =	sadd.s32 $0x18800, s6;
	s6 =	sadd.s32 $0x18C00, s0  }
0xf: {  	vm0 =	vmmov $0xffff;
	v1 =	vshrl.u32 v2, $0x3;
	s0 =	simm.s32 $0xA080;
	s7 =	sadd.s32 s1, s9;
	s8 =	sadd.s32 s8, s9  }
0x10: {  	v0 =	vand.u32 $0x7, v2;
	v2 =	vor.u32 $0x8, v2;
	v1 =	vmul.u32 $0x8, v1;
	s9 =	smax.u32 s10, $0x1;
	s10 =	simm.s32 $0x2;
	s1 =	simm.s32 $0xA880  }
.LBB2_1:
0x11: {  	[tilespmem:s2], [sflag:$0x2] =	stream.linear.gather [hbm4b:s4+s2], $0x40, $0x38;
	[tilespmem:$0x18080] =	vst v63  }
0x12: {  	_ =	swait.ge [sflag:s10], $0x40  }
0x13: {  	[sflag:s10] =	ssyncset.done $0x0  }
0x14: {  	[sflag:s10] =	ssyncadd.s32 $0xFFFFFFC0  }
0x15: {  	v3 =	vld [tilespmem:$0x0];
	_ =	sdelay $0x4  }
0x16: {  	v4 =	vshrl.u32 v3, $0x3  }
0x17: {  	v4 =	vmul.u32 $0x30, v4  }
0x18: {  	v3 =	vand.u32 $0x7, v3  }
0x19: {  	v3 =	vor.u32 v3, v4  }
0x1a: {  	v4 =	vperm.xlane v3, v0;
	_ =	sdelay $0x1  }
0x1b: {  	v4 =	vadd.s32 v1, v4;
	_ =	sdelay $0x3  }
0x1c: {  	s16 =	simm.s32 $0x80;
	v3 =	vperm.xlane v3, v2  }
0x1d: {  	[tilespmem:s16], [sflag:$0x1] =	stream.indirect_vreg.gather [hbm4b:s3+s2], $0x80, v4, vm0, $0xb8;
	[tilespmem:$0x18080] =	vst v63  }
0x1e: {  	s19 =	simm.s32 $0x880;
	v3 =	vadd.s32 v1, v3  }
0x1f: {  	[tilespmem:s19], [sflag:$0x1] =	stream.indirect_vreg.gather [hbm4b:s5+s2], $0x80, v4, vm0, $0xb8;
	[tilespmem:$0x18080] =	vst v63  }
0x20: {  	s20 =	simm.s32 $0x1080  }
0x21: {  	[tilespmem:s20], [sflag:$0x1] =	stream.indirect_vreg.gather [hbm4b:s6+s2], $0x80, v4, vm0, $0xb8;
	[tilespmem:$0x18080] =	vst v63  }
0x22: {  	s17 =	simm.s32 $0x1880  }
0x23: {  	[tilespmem:s17], [sflag:$0x1] =	stream.indirect_vreg.gather [hbm4b:s3+s2], $0x80, v3, vm0, $0xb8;
	[tilespmem:$0x18080] =	vst v63  }
0x24: {  	s18 =	simm.s32 $0x2080  }
0x25: {  	[tilespmem:s18], [sflag:$0x1] =	stream.indirect_vreg.gather [hbm4b:s5+s2], $0x80, v3, vm0, $0xb8;
	[tilespmem:$0x18080] =	vst v63  }
0x26: {  	s19 =	simm.s32 $0x2880  }
0x27: {  	[tilespmem:s19], [sflag:$0x1] =	stream.indirect_vreg.gather [hbm4b:s6+s2], $0x80, v3, vm0, $0xb8;
	[tilespmem:$0x18080] =	vst v63  }
0x28: {  	v3 =	vld [tilespmem:$0x10];
	_ =	sdelay $0x4  }
0x29: {  	v4 =	vshrl.u32 v3, $0x3  }
0x2a: {  	v4 =	vmul.u32 $0x30, v4  }
0x2b: {  	v3 =	vand.u32 $0x7, v3  }
0x2c: {  	v3 =	vor.u32 v3, v4  }
0x2d: {  	v4 =	vperm.xlane v3, v0;
	_ =	sdelay $0x1  }
0x2e: {  	v4 =	vadd.s32 v1, v4;
	_ =	sdelay $0x3  }
0x2f: {  	s20 =	simm.s32 $0x3080;
	v3 =	vperm.xlane v3, v2  }
0x30: {  	[tilespmem:s20], [sflag:$0x1] =	stream.indirect_vreg.gather [hbm4b:s3+s2], $0x80, v4, vm0, $0xb8;
	[tilespmem:$0x18080] =	vst v63  }
0x31: {  	s17 =	simm.s32 $0x3880;
	v3 =	vadd.s32 v1, v3  }
0x32: {  	[tilespmem:s17], [sflag:$0x1] =	stream.indirect_vreg.gather [hbm4b:s5+s2], $0x80, v4, vm0, $0xb8;
	[tilespmem:$0x18080] =	vst v63  }
0x33: {  	s18 =	simm.s32 $0x4080  }
0x34: {  	[tilespmem:s18], [sflag:$0x1] =	stream.indirect_vreg.gather [hbm4b:s6+s2], $0x80, v4, vm0, $0xb8;
	[tilespmem:$0x18080] =	vst v63  }
0x35: {  	s19 =	simm.s32 $0x4880  }
0x36: {  	[tilespmem:s19], [sflag:$0x1] =	stream.indirect_vreg.gather [hbm4b:s3+s2], $0x80, v3, vm0, $0xb8;
	[tilespmem:$0x18080] =	vst v63  }
0x37: {  	_ = 	snop  }
0x38: {  	[tilespmem:s21], [sflag:$0x1] =	stream.indirect_vreg.gather [hbm4b:s5+s2], $0x80, v3, vm0, $0xb8;
	[tilespmem:$0x18080] =	vst v63  }
0x39: {  	_ = 	snop  }
0x3a: {  	[tilespmem:s22], [sflag:$0x1] =	stream.indirect_vreg.gather [hbm4b:s6+s2], $0x80, v3, vm0, $0xb8;
	[tilespmem:$0x18080] =	vst v63  }
0x3b: {  	v3 =	vld [tilespmem:$0x20];
	_ =	sdelay $0x4  }
0x3c: {  	v4 =	vshrl.u32 v3, $0x3  }
0x3d: {  	v4 =	vmul.u32 $0x30, v4  }
0x3e: {  	v3 =	vand.u32 $0x7, v3  }
0x3f: {  	v3 =	vor.u32 v3, v4  }
0x40: {  	v4 =	vperm.xlane v3, v0;
	_ =	sdelay $0x1  }
0x41: {  	v4 =	vadd.s32 v1, v4;
	_ =	sdelay $0x3  }
0x42: {  	v3 =	vperm.xlane v3, v2  }
0x43: {  	[tilespmem:s23], [sflag:$0x1] =	stream.indirect_vreg.gather [hbm4b:s3+s2], $0x80, v4, vm0, $0xb8;
	[tilespmem:$0x18080] =	vst v63  }
0x44: {  	v3 =	vadd.s32 v1, v3  }
0x45: {  	[tilespmem:s24], [sflag:$0x1] =	stream.indirect_vreg.gather [hbm4b:s5+s2], $0x80, v4, vm0, $0xb8;
	[tilespmem:$0x18080] =	vst v63  }
0x46: {  	_ = 	snop  }
0x47: {  	[tilespmem:s25], [sflag:$0x1] =	stream.indirect_vreg.gather [hbm4b:s6+s2], $0x80, v4, vm0, $0xb8;
	[tilespmem:$0x18080] =	vst v63  }
0x48: {  	_ = 	snop  }
0x49: {  	[tilespmem:s26], [sflag:$0x1] =	stream.indirect_vreg.gather [hbm4b:s3+s2], $0x80, v3, vm0, $0xb8;
	[tilespmem:$0x18080] =	vst v63  }
0x4a: {  	_ = 	snop  }
0x4b: {  	[tilespmem:s28], [sflag:$0x1] =	stream.indirect_vreg.gather [hbm4b:s5+s2], $0x80, v3, vm0, $0xb8;
	[tilespmem:$0x18080] =	vst v63  }
0x4c: {  	_ = 	snop  }
0x4d: {  	[tilespmem:s29], [sflag:$0x1] =	stream.indirect_vreg.gather [hbm4b:s6+s2], $0x80, v3, vm0, $0xb8;
	[tilespmem:$0x18080] =	vst v63  }
0x4e: {  	v3 =	vld [tilespmem:$0x30];
	_ =	sdelay $0x4  }
0x4f: {  	v4 =	vshrl.u32 v3, $0x3  }
0x50: {  	v4 =	vmul.u32 $0x30, v4  }
0x51: {  	v3 =	vand.u32 $0x7, v3  }
0x52: {  	v3 =	vor.u32 v3, v4  }
0x53: {  	v4 =	vperm.xlane v3, v0;
	_ =	sdelay $0x1  }
0x54: {  	v4 =	vadd.s32 v1, v4;
	_ =	sdelay $0x3  }
0x55: {  	v3 =	vperm.xlane v3, v2  }
0x56: {  	[tilespmem:s30], [sflag:$0x1] =	stream.indirect_vreg.gather [hbm4b:s3+s2], $0x80, v4, vm0, $0xb8;
	[tilespmem:$0x18080] =	vst v63  }
0x57: {  	v3 =	vadd.s32 v1, v3  }
0x58: {  	[tilespmem:s31], [sflag:$0x1] =	stream.indirect_vreg.gather [hbm4b:s5+s2], $0x80, v4, vm0, $0xb8;
	[tilespmem:$0x18080] =	vst v63  }
0x59: {  	_ = 	snop  }
0x5a: {  	[tilespmem:s0], [sflag:$0x1] =	stream.indirect_vreg.gather [hbm4b:s6+s2], $0x80, v4, vm0, $0xb8;
	[tilespmem:$0x18080] =	vst v63  }
0x5b: {  	_ = 	snop  }
0x5c: {  	[tilespmem:s1], [sflag:$0x1] =	stream.indirect_vreg.gather [hbm4b:s3+s2], $0x80, v3, vm0, $0xb8;
	[tilespmem:$0x18080] =	vst v63  }
0x5d: {  	_ = 	snop  }
0x5e: {  	[tilespmem:s11], [sflag:$0x1] =	stream.indirect_vreg.gather [hbm4b:s5+s2], $0x80, v3, vm0, $0xb8;
	[tilespmem:$0x18080] =	vst v63  }
0x5f: {  	_ = 	snop  }
0x60: {  	[tilespmem:s12], [sflag:$0x1] =	stream.indirect_vreg.gather [hbm4b:s6+s2], $0x80, v3, vm0, $0xb8;
	[tilespmem:$0x18080] =	vst v63  }
0x61: {  	_ =	swait.ge [sflag:s13], $0xC000  }
0x62: {  	[sflag:s13] =	ssyncset.done $0x0  }
0x63: {  	s20 =	simm.s32 $0x0;
	[sflag:s13] =	ssyncadd.s32 $0xFFFF4000  }
0x64: {  	[tilespmem:s14], [sflag:$0x2] =	stream.linear.gather [hbm4b:s7+s2], $0xC000, $0x38;
	[tilespmem:$0x18080] =	vst v63  }
0x65: {  	s16 =	smul.u32 $0x1800, s20;
	_ =	swait.ge [sflag:s10], $0xC000  }
0x66: {  	s17 =	sand.u32 $0x380, s2;
	[sflag:s10] =	ssyncset.done $0x0  }
0x67: {  	s16 =	sor.u32 s17, s16;
	[sflag:s10] =	ssyncadd.s32 $0xFFFF4000  }
0x68: {  	v12 =	vld [tilespmem:s16+$0x80]  }
0x69: {  	v13 =	vld [tilespmem:s16+$0x90]  }
0x6a: {  	v14 =	vld [tilespmem:s16+$0xA0]  }
0x6b: {  	v15 =	vld [tilespmem:s16+$0xB0]  }
0x6c: {  	v16 =	vld [tilespmem:s16+$0xC0]  }
0x6d: {  	v17 =	vld [tilespmem:s16+$0xD0]  }
0x6e: {  	v18 =	vld [tilespmem:s16+$0xE0]  }
0x6f: {  	v19 =	vld [tilespmem:s16+$0xF0]  }
0x70: {  	v20 =	vld [tilespmem:s16+$0x480]  }
0x71: {  	v21 =	vld [tilespmem:s16+$0x490]  }
0x72: {  	v22 =	vld [tilespmem:s16+$0x4A0]  }
0x73: {  	v23 =	vld [tilespmem:s16+$0x4B0]  }
0x74: {  	v24 =	vld [tilespmem:s16+$0x4C0]  }
0x75: {  	v25 =	vld [tilespmem:s16+$0x4D0]  }
0x76: {  	v26 =	vld [tilespmem:s16+$0x4E0]  }
0x77: {  	v27 =	vld [tilespmem:s16+$0x4F0]  }
0x78: {  	v28 =	vld [tilespmem:s16+$0x880]  }
0x79: {  	v29 =	vld [tilespmem:s16+$0x890]  }
0x7a: {  	v30 =	vld [tilespmem:s16+$0x8A0]  }
0x7b: {  	v31 =	vld [tilespmem:s16+$0x8B0]  }
0x7c: {  	v32 =	vld [tilespmem:s16+$0x8C0]  }
0x7d: {  	v33 =	vld [tilespmem:s16+$0x8D0]  }
0x7e: {  	v34 =	vld [tilespmem:s16+$0x8E0]  }
0x7f: {  	v35 =	vld [tilespmem:s16+$0x8F0]  }
0x80: {  	v36 =	vld [tilespmem:s16+$0xC80]  }
0x81: {  	v37 =	vld [tilespmem:s16+$0xC90]  }
0x82: {  	v38 =	vld [tilespmem:s16+$0xCA0]  }
0x83: {  	v39 =	vld [tilespmem:s16+$0xCB0]  }
0x84: {  	v40 =	vld [tilespmem:s16+$0xCC0]  }
0x85: {  	v41 =	vld [tilespmem:s16+$0xCD0]  }
0x86: {  	v42 =	vld [tilespmem:s16+$0xCE0]  }
0x87: {  	v43 =	vld [tilespmem:s16+$0xCF0]  }
0x88: {  	v44 =	vld [tilespmem:s16+$0x1080]  }
0x89: {  	v45 =	vld [tilespmem:s16+$0x1090]  }
0x8a: {  	v46 =	vld [tilespmem:s16+$0x10A0]  }
0x8b: {  	v47 =	vld [tilespmem:s16+$0x10B0]  }
0x8c: {  	v48 =	vld [tilespmem:s16+$0x10C0]  }
0x8d: {  	v49 =	vld [tilespmem:s16+$0x10D0]  }
0x8e: {  	v50 =	vld [tilespmem:s16+$0x10E0]  }
0x8f: {  	v11 =	vld [tilespmem:s16+$0x10F0]  }
0x90: {  	v10 =	vld [tilespmem:s16+$0x1480]  }
0x91: {  	v9 =	vld [tilespmem:s16+$0x1490]  }
0x92: {  	v8 =	vld [tilespmem:s16+$0x14A0]  }
0x93: {  	v7 =	vld [tilespmem:s16+$0x14B0]  }
0x94: {  	v6 =	vld [tilespmem:s16+$0x14C0]  }
0x95: {  	v51 =	vld [tilespmem:s16+$0xC080]  }
0x96: {  	v52 =	vld [tilespmem:s16+$0xC090]  }
0x97: {  	v53 =	vld [tilespmem:s16+$0xC0A0]  }
0x98: {  	v54 =	vld [tilespmem:s16+$0xC0B0]  }
0x99: {  	v55 =	vld [tilespmem:s16+$0xC0C0]  }
0x9a: {  	v62 =	vld [tilespmem:s16+$0xC0D0];
	v12 =	vadd.f32 v12, v51  }
0x9b: {  	v63 =	vld [tilespmem:s16+$0xC0E0];
	v13 =	vadd.f32 v13, v52  }
0x9c: {  	[tilespmem:s16+$0xC080] =	vst v12;
	v12 =	vadd.f32 v14, v53;
	v14 =	vld [tilespmem:s16+$0xC0F0]  }
0x9d: {  	[tilespmem:s16+$0xC090] =	vst v13;
	v13 =	vadd.f32 v15, v54;
	v15 =	vld [tilespmem:s16+$0xC480]  }
0x9e: {  	[tilespmem:s16+$0xC0A0] =	vst v12;
	v12 =	vadd.f32 v16, v55;
	v16 =	vld [tilespmem:s16+$0xC490]  }
0x9f: {  	[tilespmem:s16+$0xC0B0] =	vst v13;
	v13 =	vadd.f32 v17, v62;
	v17 =	vld [tilespmem:s16+$0xC4A0]  }
0xa0: {  	v5 =	vld [tilespmem:s16+$0x14D0]  }
0xa1: {  	[tilespmem:s16+$0xC0C0] =	vst v12;
	v12 =	vadd.f32 v18, v63;
	v18 =	vld [tilespmem:s16+$0xC4F0]  }
0xa2: {  	[tilespmem:s16+$0xC0D0] =	vst v13;
	v13 =	vadd.f32 v19, v14;
	v14 =	vld [tilespmem:s16+$0xC4B0]  }
0xa3: {  	[tilespmem:s16+$0xC0E0] =	vst v12;
	v12 =	vadd.f32 v20, v15;
	v15 =	vld [tilespmem:s16+$0xC4C0]  }
0xa4: {  	[tilespmem:s16+$0xC0F0] =	vst v13;
	v13 =	vadd.f32 v21, v16;
	v16 =	vadd.f32 v22, v17;
	v17 =	vld [tilespmem:s16+$0xC4E0]  }
0xa5: {  	[tilespmem:s16+$0xC480] =	vst v12;
	v12 =	vld [tilespmem:s16+$0xC4D0]  }
0xa6: {  	[tilespmem:s16+$0xC490] =	vst v13;
	v13 =	vld [tilespmem:s16+$0xC880];
	v18 =	vadd.f32 v27, v18  }
0xa7: {  	[tilespmem:s16+$0xC4A0] =	vst v16;
	v16 =	vld [tilespmem:s16+$0xC890];
	v14 =	vadd.f32 v23, v14  }
0xa8: {  	v4 =	vld [tilespmem:s16+$0x14E0];
	v15 =	vadd.f32 v24, v15;
	[tilespmem:s16+$0xC4F0] =	vst v18  }
0xa9: {  	[tilespmem:s16+$0xC4B0] =	vst v14;
	v14 =	vld [tilespmem:s16+$0xC8A0];
	v17 =	vadd.f32 v26, v17  }
0xaa: {  	v12 =	vadd.f32 v25, v12;
	[tilespmem:s16+$0xC4C0] =	vst v15;
	v15 =	vld [tilespmem:s16+$0xC8B0]  }
0xab: {  	v18 =	vld [tilespmem:s16+$0xC8F0];
	[tilespmem:s16+$0xC4E0] =	vst v17;
	v13 =	vadd.f32 v28, v13  }
0xac: {  	v16 =	vadd.f32 v29, v16;
	[tilespmem:s16+$0xC4D0] =	vst v12;
	v12 =	vld [tilespmem:s16+$0xC8C0]  }
0xad: {  	v17 =	vld [tilespmem:s16+$0xC8D0];
	[tilespmem:s16+$0xC880] =	vst v13  }
0xae: {  	[tilespmem:s16+$0xC890] =	vst v16;
	v16 =	vld [tilespmem:s16+$0xC8E0];
	v13 =	vadd.f32 v30, v14  }
0xaf: {  	v14 =	vld [tilespmem:s16+$0xCC80];
	v15 =	vadd.f32 v31, v15  }
0xb0: {  	[tilespmem:s16+$0xC8A0] =	vst v13;
	v13 =	vld [tilespmem:s16+$0xCC90]  }
0xb1: {  	v12 =	vadd.f32 v32, v12;
	[tilespmem:s16+$0xC8B0] =	vst v15;
	v15 =	vld [tilespmem:s16+$0xCCA0]  }
0xb2: {  	v3 =	vld [tilespmem:s16+$0x14F0];
	v17 =	vadd.f32 v33, v17  }
0xb3: {  	v16 =	vadd.f32 v34, v16;
	[tilespmem:s16+$0xC8C0] =	vst v12;
	v12 =	vld [tilespmem:s16+$0xCCB0]  }
0xb4: {  	[tilespmem:s16+$0xC8D0] =	vst v17;
	v17 =	vld [tilespmem:s16+$0xCCC0];
	v14 =	vadd.f32 v36, v14  }
0xb5: {  	v18 =	vadd.f32 v35, v18;
	[tilespmem:s16+$0xC8E0] =	vst v16;
	v16 =	vld [tilespmem:s16+$0xCCD0]  }
0xb6: {  	v13 =	vadd.f32 v37, v13;
	[tilespmem:s16+$0xCC80] =	vst v14;
	v14 =	vadd.f32 v38, v15;
	v15 =	vld [tilespmem:s16+$0xCCE0]  }
0xb7: {  	[tilespmem:s16+$0xC8F0] =	vst v18;
	v18 =	vld [tilespmem:s16+$0xCCF0]  }
0xb8: {  	[tilespmem:s16+$0xCC90] =	vst v13;
	v13 =	vld [tilespmem:s16+$0xD080];
	v12 =	vadd.f32 v39, v12  }
0xb9: {  	v17 =	vadd.f32 v40, v17;
	[tilespmem:s16+$0xCCA0] =	vst v14;
	v14 =	vld [tilespmem:s16+$0xD090]  }
0xba: {  	v16 =	vadd.f32 v41, v16;
	[tilespmem:s16+$0xCCB0] =	vst v12;
	v12 =	vld [tilespmem:s16+$0xD0A0]  }
0xbb: {  	[tilespmem:s16+$0xCCC0] =	vst v17;
	v17 =	vld [tilespmem:s16+$0xD0B0];
	v15 =	vadd.f32 v42, v15  }
0xbc: {  	v19 =	vld [tilespmem:s16+$0xD0C0];
	[tilespmem:s16+$0xCCD0] =	vst v16;
	v16 =	vadd.f32 v43, v18  }
0xbd: {  	v18 =	vld [tilespmem:s16+$0xD0D0];
	v13 =	vadd.f32 v44, v13;
	[tilespmem:s16+$0xCCE0] =	vst v15  }
0xbe: {  	v20 =	vld [tilespmem:s16+$0xD0E0];
	[tilespmem:s16+$0xCCF0] =	vst v16;
	v14 =	vadd.f32 v45, v14  }
0xbf: {  	v16 =	vld [tilespmem:s16+$0xD0F0];
	[tilespmem:s16+$0xD080] =	vst v13;
	v12 =	vadd.f32 v46, v12  }
0xc0: {  	v15 =	vld [tilespmem:s16+$0xD480];
	v13 =	vadd.f32 v47, v17;
	[tilespmem:s16+$0xD090] =	vst v14  }
0xc1: {  	v14 =	vld [tilespmem:s16+$0xD490];
	[tilespmem:s16+$0xD0A0] =	vst v12;
	v12 =	vadd.f32 v48, v19  }
0xc2: {  	[tilespmem:s16+$0xD0B0] =	vst v13;
	v13 =	vld [tilespmem:s16+$0xD4A0];
	v18 =	vadd.f32 v49, v18  }
0xc3: {  	s17 =	simm.s32 $0x1;
	s18 =	simm.s32 $0x0;
	v17 =	vadd.f32 v50, v20;
	[tilespmem:s16+$0xD0C0] =	vst v12;
	v12 =	vld [tilespmem:s16+$0xD4B0]  }
.LBB2_2:
0xc4: {  	s19 =	sshrl.u32 s17, $0x3;
	p0 =	sne.s32 s17, $0x3F;
	[tilespmem:s16+$0xD0D0] =	vst v18;
	v11 =	vadd.f32 v11, v16;
	v16 =	vld [tilespmem:s16+$0xD4C0]  }
0xc5: {  	s18 =	sadd.s32 $0x80, s18;
	s19 =	smul.u32 $0x1800, s19;
	[tilespmem:s16+$0xD0E0] =	vst v17;
	v10 =	vadd.f32 v10, v15;
	v15 =	vld [tilespmem:s16+$0xD4D0]  }
0xc6: {  	s20 =	sand.u32 $0x380, s18;
	[tilespmem:s16+$0xD0F0] =	vst v11;
	v9 =	vadd.f32 v9, v14;
	v11 =	vld [tilespmem:s16+$0xD4E0]  }
0xc7: {  	s19 =	sor.u32 s20, s19;
	[tilespmem:s16+$0xD480] =	vst v10;
	v8 =	vadd.f32 v8, v13;
	v10 =	vld [tilespmem:s16+$0xD4F0]  }
0xc8: {  	v39 =	vld [tilespmem:s19+$0x80];
	[tilespmem:s16+$0xD490] =	vst v9;
	v7 =	vadd.f32 v7, v12  }
0xc9: {  	v40 =	vld [tilespmem:s19+$0x90];
	[tilespmem:s16+$0xD4A0] =	vst v8;
	v6 =	vadd.f32 v6, v16  }
0xca: {  	v41 =	vld [tilespmem:s19+$0xA0];
	[tilespmem:s16+$0xD4B0] =	vst v7;
	v5 =	vadd.f32 v5, v15  }
0xcb: {  	v42 =	vld [tilespmem:s19+$0xB0];
	[tilespmem:s16+$0xD4C0] =	vst v6;
	v4 =	vadd.f32 v4, v11  }
0xcc: {  	v43 =	vld [tilespmem:s19+$0xC0];
	[tilespmem:s16+$0xD4D0] =	vst v5;
	v3 =	vadd.f32 v3, v10  }
0xcd: {  	v44 =	vld [tilespmem:s19+$0xD0];
	[tilespmem:s16+$0xD4E0] =	vst v4  }
0xce: {  	v45 =	vld [tilespmem:s19+$0xE0];
	[tilespmem:s16+$0xD4F0] =	vst v3;
	s16 =	smov.u32 s19  }
0xcf: {  	v46 =	vld [tilespmem:s16+$0xF0]  }
0xd0: {  	v47 =	vld [tilespmem:s16+$0x480]  }
0xd1: {  	v48 =	vld [tilespmem:s16+$0x490]  }
0xd2: {  	v49 =	vld [tilespmem:s16+$0x4A0]  }
0xd3: {  	v50 =	vld [tilespmem:s16+$0x4B0]  }
0xd4: {  	v38 =	vld [tilespmem:s16+$0x4C0]  }
0xd5: {  	v37 =	vld [tilespmem:s16+$0x4D0]  }
0xd6: {  	v36 =	vld [tilespmem:s16+$0x4E0]  }
0xd7: {  	v35 =	vld [tilespmem:s16+$0x4F0]  }
0xd8: {  	v34 =	vld [tilespmem:s16+$0x880]  }
0xd9: {  	v33 =	vld [tilespmem:s16+$0x890]  }
0xda: {  	v32 =	vld [tilespmem:s16+$0x8A0]  }
0xdb: {  	v31 =	vld [tilespmem:s16+$0x8B0]  }
0xdc: {  	v30 =	vld [tilespmem:s16+$0x8C0]  }
0xdd: {  	v29 =	vld [tilespmem:s16+$0x8D0]  }
0xde: {  	v28 =	vld [tilespmem:s16+$0x8E0]  }
0xdf: {  	v27 =	vld [tilespmem:s16+$0x8F0]  }
0xe0: {  	v26 =	vld [tilespmem:s16+$0xC80]  }
0xe1: {  	v25 =	vld [tilespmem:s16+$0xC90]  }
0xe2: {  	v24 =	vld [tilespmem:s16+$0xCA0]  }
0xe3: {  	v23 =	vld [tilespmem:s16+$0xCB0]  }
0xe4: {  	v22 =	vld [tilespmem:s16+$0xCC0]  }
0xe5: {  	v21 =	vld [tilespmem:s16+$0xCD0]  }
0xe6: {  	v20 =	vld [tilespmem:s16+$0xCE0]  }
0xe7: {  	v19 =	vld [tilespmem:s16+$0xCF0]  }
0xe8: {  	v18 =	vld [tilespmem:s16+$0x1080]  }
0xe9: {  	v17 =	vld [tilespmem:s16+$0x1090]  }
0xea: {  	v16 =	vld [tilespmem:s16+$0x10A0]  }
0xeb: {  	v15 =	vld [tilespmem:s16+$0x10B0]  }
0xec: {  	v14 =	vld [tilespmem:s16+$0x10C0]  }
0xed: {  	v13 =	vld [tilespmem:s16+$0x10D0]  }
0xee: {  	v12 =	vld [tilespmem:s16+$0x10E0]  }
0xef: {  	v11 =	vld [tilespmem:s16+$0x10F0]  }
0xf0: {  	v10 =	vld [tilespmem:s16+$0x1480]  }
0xf1: {  	v9 =	vld [tilespmem:s16+$0x1490]  }
0xf2: {  	v8 =	vld [tilespmem:s16+$0x14A0]  }
0xf3: {  	v7 =	vld [tilespmem:s16+$0x14B0]  }
0xf4: {  	v6 =	vld [tilespmem:s16+$0x14C0]  }
0xf5: {  	v5 =	vld [tilespmem:s16+$0x14D0]  }
0xf6: {  	v4 =	vld [tilespmem:s16+$0x14E0]  }
0xf7: {  	v3 =	vld [tilespmem:s16+$0x14F0]  }
0xf8: {  	v51 =	vld [tilespmem:s16+$0xC080]  }
0xf9: {  	v52 =	vld [tilespmem:s16+$0xC090]  }
0xfa: {  	v53 =	vld [tilespmem:s16+$0xC0A0]  }
0xfb: {  	v54 =	vld [tilespmem:s16+$0xC0B0]  }
0xfc: {  	v55 =	vld [tilespmem:s16+$0xC0C0]  }
0xfd: {  	v39 =	vadd.f32 v39, v51;
	v51 =	vld [tilespmem:s16+$0xC0D0]  }
0xfe: {  	v40 =	vadd.f32 v40, v52;
	v52 =	vld [tilespmem:s16+$0xC0E0]  }
0xff: {  	[tilespmem:s16+$0xC080] =	vst v39;
	v39 =	vadd.f32 v41, v53;
	v41 =	vld [tilespmem:s16+$0xC0F0]  }
0x100: {  	[tilespmem:s16+$0xC090] =	vst v40;
	v40 =	vadd.f32 v42, v54;
	v42 =	vld [tilespmem:s16+$0xC480]  }
0x101: {  	[tilespmem:s16+$0xC0A0] =	vst v39;
	v39 =	vadd.f32 v43, v55;
	v43 =	vld [tilespmem:s16+$0xC490]  }
0x102: {  	[tilespmem:s16+$0xC0B0] =	vst v40;
	v40 =	vadd.f32 v44, v51;
	v44 =	vld [tilespmem:s16+$0xC4A0]  }
0x103: {  	[tilespmem:s16+$0xC0C0] =	vst v39;
	v39 =	vadd.f32 v45, v52;
	v45 =	vld [tilespmem:s16+$0xC4B0]  }
0x104: {  	[tilespmem:s16+$0xC0D0] =	vst v40;
	v40 =	vadd.f32 v46, v41;
	v41 =	vld [tilespmem:s16+$0xC4C0]  }
0x105: {  	[tilespmem:s16+$0xC0E0] =	vst v39;
	v39 =	vadd.f32 v47, v42;
	v42 =	vld [tilespmem:s16+$0xC4D0]  }
0x106: {  	[tilespmem:s16+$0xC0F0] =	vst v40;
	v40 =	vadd.f32 v48, v43;
	v43 =	vld [tilespmem:s16+$0xC4E0]  }
0x107: {  	[tilespmem:s16+$0xC480] =	vst v39;
	v39 =	vadd.f32 v49, v44;
	v44 =	vld [tilespmem:s16+$0xC4F0]  }
0x108: {  	[tilespmem:s16+$0xC490] =	vst v40;
	v40 =	vadd.f32 v50, v45;
	v45 =	vld [tilespmem:s16+$0xC880]  }
0x109: {  	[tilespmem:s16+$0xC4A0] =	vst v39;
	v38 =	vadd.f32 v38, v41;
	v39 =	vld [tilespmem:s16+$0xC890]  }
0x10a: {  	[tilespmem:s16+$0xC4B0] =	vst v40;
	v37 =	vadd.f32 v37, v42;
	v40 =	vld [tilespmem:s16+$0xC8A0]  }
0x10b: {  	[tilespmem:s16+$0xC4C0] =	vst v38;
	v36 =	vadd.f32 v36, v43;
	v38 =	vld [tilespmem:s16+$0xC8B0]  }
0x10c: {  	[tilespmem:s16+$0xC4D0] =	vst v37;
	v35 =	vadd.f32 v35, v44;
	v37 =	vld [tilespmem:s16+$0xC8C0]  }
0x10d: {  	[tilespmem:s16+$0xC4E0] =	vst v36;
	v34 =	vadd.f32 v34, v45;
	v36 =	vld [tilespmem:s16+$0xC8D0]  }
0x10e: {  	[tilespmem:s16+$0xC4F0] =	vst v35;
	v33 =	vadd.f32 v33, v39;
	v35 =	vld [tilespmem:s16+$0xC8E0]  }
0x10f: {  	[tilespmem:s16+$0xC880] =	vst v34;
	v32 =	vadd.f32 v32, v40;
	v34 =	vld [tilespmem:s16+$0xC8F0]  }
0x110: {  	[tilespmem:s16+$0xC890] =	vst v33;
	v31 =	vadd.f32 v31, v38;
	v33 =	vld [tilespmem:s16+$0xCC80]  }
0x111: {  	[tilespmem:s16+$0xC8A0] =	vst v32;
	v30 =	vadd.f32 v30, v37;
	v32 =	vld [tilespmem:s16+$0xCC90]  }
0x112: {  	[tilespmem:s16+$0xC8B0] =	vst v31;
	v29 =	vadd.f32 v29, v36;
	v31 =	vld [tilespmem:s16+$0xCCA0]  }
0x113: {  	[tilespmem:s16+$0xC8C0] =	vst v30;
	v28 =	vadd.f32 v28, v35;
	v30 =	vld [tilespmem:s16+$0xCCB0]  }
0x114: {  	[tilespmem:s16+$0xC8D0] =	vst v29;
	v27 =	vadd.f32 v27, v34;
	v29 =	vld [tilespmem:s16+$0xCCC0]  }
0x115: {  	[tilespmem:s16+$0xC8E0] =	vst v28;
	v26 =	vadd.f32 v26, v33;
	v28 =	vld [tilespmem:s16+$0xCCD0]  }
0x116: {  	[tilespmem:s16+$0xC8F0] =	vst v27;
	v25 =	vadd.f32 v25, v32;
	v27 =	vld [tilespmem:s16+$0xCCE0]  }
0x117: {  	[tilespmem:s16+$0xCC80] =	vst v26;
	v24 =	vadd.f32 v24, v31;
	v26 =	vld [tilespmem:s16+$0xCCF0]  }
0x118: {  	[tilespmem:s16+$0xCC90] =	vst v25;
	v23 =	vadd.f32 v23, v30;
	v25 =	vld [tilespmem:s16+$0xD080]  }
0x119: {  	[tilespmem:s16+$0xCCA0] =	vst v24;
	v22 =	vadd.f32 v22, v29;
	v24 =	vld [tilespmem:s16+$0xD090]  }
0x11a: {  	[tilespmem:s16+$0xCCB0] =	vst v23;
	v21 =	vadd.f32 v21, v28;
	v23 =	vld [tilespmem:s16+$0xD0A0]  }
0x11b: {  	[tilespmem:s16+$0xCCC0] =	vst v22;
	v20 =	vadd.f32 v20, v27;
	v22 =	vld [tilespmem:s16+$0xD0B0]  }
0x11c: {  	[tilespmem:s16+$0xCCD0] =	vst v21;
	v19 =	vadd.f32 v19, v26;
	v21 =	vld [tilespmem:s16+$0xD0C0]  }
0x11d: {  	[tilespmem:s16+$0xCCE0] =	vst v20;
	v18 =	vadd.f32 v18, v25;
	v20 =	vld [tilespmem:s16+$0xD0D0]  }
0x11e: {  	[tilespmem:s16+$0xCCF0] =	vst v19;
	v17 =	vadd.f32 v17, v24;
	v19 =	vld [tilespmem:s16+$0xD0E0]  }
.Ltmp0:
0x11f: {  	[tilespmem:s16+$0xD080] =	vst v18;
	v18 =	vadd.f32 v16, v23;
	v16 =	vld [tilespmem:s16+$0xD0F0];
	(pc) =	sbr.rel @p0 .LBB2_2-.Ltmp0, $4  }
0x120: {  	[tilespmem:s16+$0xD090] =	vst v17;
	v17 =	vadd.f32 v15, v22;
	v15 =	vld [tilespmem:s16+$0xD480]  }
0x121: {  	[tilespmem:s16+$0xD0A0] =	vst v18;
	v21 =	vadd.f32 v14, v21;
	v14 =	vld [tilespmem:s16+$0xD490]  }
0x122: {  	[tilespmem:s16+$0xD0B0] =	vst v17;
	v18 =	vadd.f32 v13, v20;
	v13 =	vld [tilespmem:s16+$0xD4A0]  }
0x123: {  	s17 =	sadd.s32 $0x1, s17;
	[tilespmem:s16+$0xD0C0] =	vst v21;
	v17 =	vadd.f32 v12, v19;
	v12 =	vld [tilespmem:s16+$0xD4B0]  }
0x124: {  	[tilespmem:s16+$0xD0D0] =	vst v18;
	v60 =	vld [tilespmem:s16+$0xD4C0];
	v11 =	vadd.f32 v11, v16  }
0x125: {  	v61 =	vld [tilespmem:s16+$0xD4D0];
	[tilespmem:s16+$0xD0E0] =	vst v17;
	v10 =	vadd.f32 v10, v15  }
0x126: {  	v62 =	vld [tilespmem:s16+$0xD4E0];
	[tilespmem:s16+$0xD0F0] =	vst v11;
	v9 =	vadd.f32 v9, v14  }
0x127: {  	v63 =	vld [tilespmem:s16+$0xD4F0];
	[tilespmem:s16+$0xD480] =	vst v10;
	v8 =	vadd.f32 v8, v13  }
0x128: {  	[tilespmem:s16+$0xD490] =	vst v9;
	v7 =	vadd.f32 v7, v12  }
0x129: {  	[tilespmem:s16+$0xD4A0] =	vst v8;
	v6 =	vadd.f32 v6, v60  }
0x12a: {  	v5 =	vadd.f32 v5, v61;
	[tilespmem:s16+$0xD4B0] =	vst v7  }
0x12b: {  	v4 =	vadd.f32 v4, v62;
	[tilespmem:s16+$0xD4C0] =	vst v6  }
0x12c: {  	s15 =	sadd.s32 $0x1, s15;
	v3 =	vadd.f32 v3, v63;
	[tilespmem:s16+$0xD4D0] =	vst v5  }
0x12d: {  	p0 =	sne.s32 s15, s9;
	[tilespmem:s16+$0xD4E0] =	vst v4  }
.Ltmp1:
0x12e: {  	[tilespmem:s16+$0xD4F0] =	vst v3;
	(pc) =	sbr.rel @p0 .LBB2_1-.Ltmp1, $4  }
0x12f: {  	[hbm4b:s8+s2] =	stream.linear.scatter [tilespmem:s14], [sflag:$0x2], $0xC000, $0x38;
	[tilespmem:$0x18080] =	vst v63  }
0x130: {  	_ =	swait.ge [sflag:s10], $0xC000  }
0x131: {  	[sflag:s10] =	ssyncset.done $0x0  }
0x132: {  	[sflag:s10] =	ssyncadd.s32 $0xFFFF4000  }
0x133: {  	_ =	sfence.sel $0x180000  }
0x134: {  	[bflag:$0x0] =	sbarrier.arrive $0xFFFF  }
0x135: {  	_ =	strace $0x9000004A  }
0x136: {  	s0 =	stileid.u32;
	[bflag:$0x2] =	sbarrier.arrive $0xFFFF  }
0x137: {  	p0 =	sne.s32 s0, $0x0;
	s0 =	rddreg [dreg:$0x3]  }
0x138: {  	s0 =	sadd.s32 @!p0 $0x100000, s0  }
0x139: {  	[sflag:s0] =	ssyncadd.tile.s32 @!p0 $0x1;
	_ =	shalt  }
.Lfunc_end2:
_tile_overlayer_lowered:
.L_overlay_start_2:
0x13a: {  	(tag) =	ssettag $0x2  }
0x13b: {  	s0 =	rddreg [dreg:$0x0];
	s2 =	stileid.u32  }
0x13c: {  	s1 =	rddreg [dreg:$0x1];
	p0 =	sne.s32 s2, $0x0  }
0x13d: {  	s3 =	rddreg [dreg:$0x2];
	[bflag:$0x3] =	sbarrier.arrive $0xFFFF;
	s2 =	simm.s32 @!p0 $0x1C02  }
0x13e: {  	[timem:s3], [sflag:s2] =	dma.local @!p0 [hbm:s0], s1  }
0x13f: {  	s0 =	simm.s32 @!p0 $0x2  }
0x140: {  	_ =	swait.ge @!p0 [sflag:s0], s1  }
0x141: {  	s1 =	ssub.s32 @!p0 $0x0, s1;
	[sflag:s0] =	ssyncset.done @!p0 $0x0  }
0x142: {  	[sflag:s0] =	ssyncadd.s32 @!p0 s1  }
0x143: {  	[bflag:$0x3] =	sbarrier.arrive $0xFFFF  }
0x144: {  	_ =	shalt  }

</sc_bundles>
